<compile_context>
chip_gen: v7x
topology: tpu7x:2x2x1
jax: 0.10.2.dev20260603
libtpu: 0.0.44.dev20260713+nightly
codegen_flags: <defaults>
</compile_context>

<pallas_src>
import functools

import jax
import jax.numpy as jnp
from jax import lax
from jax.experimental import pallas as pl
from jax.experimental.pallas import tpu as pltpu
from jax.experimental.pallas import tpu_sc as plsc

DIM = 33
TSIZE = DIM * DIM * DIM
NC, NS, L = 2, 16, 16
NW = NC * NS
B, C, H, W = 8, 3, 512, 512
PIX = B * H * W
PER_TILE = PIX // NW
ROWS_PER_TILE = PER_TILE // W
TILES_PER_IMG = H // ROWS_PER_TILE
RB = 2
CHUNK = RB * W
NCHUNK = ROWS_PER_TILE // RB
NGRP = CHUNK // L
GPR = W // L
FMAX = float(DIM - 1)


def _body(lut_hbm, img_hbm, out_hbm,
          lv,
          ir0, ig0, ib0, ir1, ig1, ib1,
          or0, og0, ob0, or1, og1, ob1,
          si0, si1, so0, so1):
    wid = lax.axis_index("s") * NC + lax.axis_index("c")
    bi = wid // TILES_PER_IMG
    r0 = (wid % TILES_PER_IMG) * ROWS_PER_TILE

    in_slots = ((ir0, ig0, ib0, si0), (ir1, ig1, ib1, si1))
    out_slots = ((or0, og0, ob0, so0), (or1, og1, ob1, so1))

    def start_in(i, s):
        row = r0 + i * RB
        r, g, b_, sem = in_slots[s]
        pltpu.async_copy(img_hbm.at[bi, 0, pl.ds(row, RB), :], r, sem)
        pltpu.async_copy(img_hbm.at[bi, 1, pl.ds(row, RB), :], g, sem)
        pltpu.async_copy(img_hbm.at[bi, 2, pl.ds(row, RB), :], b_, sem)

    def wait_in(s):
        r, g, b_, sem = in_slots[s]
        for dst in (r, g, b_):
            pltpu.make_async_copy(img_hbm.at[0, 0, pl.ds(0, RB), :], dst,
                                  sem).wait()

    def start_out(i, s):
        row = r0 + i * RB
        o0, o1, o2, sem = out_slots[s]
        pltpu.async_copy(o0, out_hbm.at[bi, 0, pl.ds(row, RB), :], sem)
        pltpu.async_copy(o1, out_hbm.at[bi, 1, pl.ds(row, RB), :], sem)
        pltpu.async_copy(o2, out_hbm.at[bi, 2, pl.ds(row, RB), :], sem)

    def wait_out(s):
        o0, o1, o2, sem = out_slots[s]
        for src in (o0, o1, o2):
            pltpu.make_async_copy(src, out_hbm.at[0, 0, pl.ds(0, RB), :],
                                  sem).wait()

    def compute_chunk(s):
        inr, ing, inb, _ = in_slots[s]
        outs = out_slots[s][:3]

        @plsc.parallel_loop(0, NGRP, unroll=2)
        def _grp(j):
            jr = j // GPR
            col = (j % GPR) * L
            sl = pl.ds(col, L)

            def axis(ref):
                cf = ref[jr, sl] * FMAX
                i0 = cf.astype(jnp.int32)
                w = cf - i0.astype(jnp.float32)
                return i0, i0 + 1, w

            x0, x1, wx = axis(inr)
            y0, y1, wy = axis(ing)
            z0, z1, wz = axis(inb)
            tz0 = z0 * (DIM * DIM)
            tz1 = z1 * (DIM * DIM)
            uy0 = y0 * DIM
            uy1 = y1 * DIM
            zy00 = tz0 + uy0
            zy01 = tz0 + uy1
            zy10 = tz1 + uy0
            zy11 = tz1 + uy1
            cx = 1.0 - wx
            cy = 1.0 - wy
            cz = 1.0 - wz
            q00 = cz * cy
            q01 = cz * wy
            q10 = wz * cy
            q11 = wz * wy
            accs = [None, None, None]
            for zy, q in ((zy00, q00), (zy01, q01), (zy10, q10), (zy11, q11)):
                for xx, wxp in ((x0, cx), (x1, wx)):
                    idx = zy + xx
                    wk = q * wxp
                    for c in range(3):
                        t = plsc.load_gather(lv, [idx]) * wk
                        accs[c] = t if accs[c] is None else accs[c] + t
                        if c < 2:
                            idx = idx + TSIZE
            for c in range(3):
                outs[c][jr, sl] = accs[c]

    start_in(0, 0)
    start_in(1, 1)
    pltpu.sync_copy(lut_hbm, lv)

    @pl.loop(0, NCHUNK, step=2)
    def _chunk(i):
        for s in range(2):
            ci = i + s
            wait_in(s)

            @pl.when(ci >= 2)
            def _():
                wait_out(s)

            compute_chunk(s)
            start_out(ci, s)

            @pl.when(ci + 2 < NCHUNK)
            def _():
                start_in(ci + 2, s)

    wait_out(0)
    wait_out(1)


@functools.cache
def _tri():
    return pl.kernel(
        _body,
        out_type=jax.ShapeDtypeStruct((B, C, H, W), jnp.float32),
        mesh=plsc.VectorSubcoreMesh(
            core_axis_name="c", subcore_axis_name="s",
            num_cores=NC, num_subcores=NS),
        compiler_params=pltpu.CompilerParams(needs_layout_passes=False),
        scratch_types=(
            [pltpu.VMEM((3 * TSIZE,), jnp.float32)]
            + [pltpu.VMEM((RB, W), jnp.float32)] * 12
            + [pltpu.SemaphoreType.DMA] * 4
        ),
    )


def kernel(lut, img):
    return _tri()(lut.reshape(-1), img)

# --- scband reference (transcript-rebuilt; emitter-appended) ---
"""Pipeline reference for scband-tri-linear-pytorch-71296457114367 (READ-ONLY COPY).

The authoritative reference and input builder live on the scoring server;
editing this copy changes nothing except your own understanding.
"""

import jax, jax.numpy as jnp
import numpy as np


def setup_inputs(seed: int = 0) -> dict:
    key = jax.random.key(seed)
    k1, k2 = jax.random.split(key)
    lut = jax.random.uniform(k1, (3, 33, 33, 33), dtype=jnp.float32)
    img = jax.random.uniform(k2, (8, 3, 512, 512), dtype=jnp.float32)
    return {"lut": lut, "img": img}


def reference(lut, img):
    # Faithful port of F.grid_sample(lut[None].expand(B,...), grid, mode='bilinear',
    # padding_mode='border', align_corners=True) where grid = img.permute(0,2,3,1)[:,None]*2-1.
    # With align_corners=True: unnormalized index = (g+1)/2*(dim-1) = img*(dim-1).
    # grid channel 0 (img R) -> x (last lut axis), channel 1 (G) -> y, channel 2 (B) -> z.
    dim = lut.shape[-1]
    coords = img * (dim - 1)
    # padding_mode='border' -> clamp unnormalized coords to [0, dim-1]
    coords = jnp.clip(coords, 0.0, float(dim - 1))
    x = coords[:, 0]
    y = coords[:, 1]
    z = coords[:, 2]
    x0f = jnp.floor(x); y0f = jnp.floor(y); z0f = jnp.floor(z)
    wx = x - x0f; wy = y - y0f; wz = z - z0f
    x0 = jnp.clip(x0f.astype(jnp.int32), 0, dim - 1)
    y0 = jnp.clip(y0f.astype(jnp.int32), 0, dim - 1)
    z0 = jnp.clip(z0f.astype(jnp.int32), 0, dim - 1)
    x1 = jnp.clip(x0 + 1, 0, dim - 1)
    y1 = jnp.clip(y0 + 1, 0, dim - 1)
    z1 = jnp.clip(z0 + 1, 0, dim - 1)

    def g(zi, yi, xi):
        # lut: [3, D, H, W]; zi/yi/xi: [B, H, W] -> [3, B, H, W]
        return lut[:, zi, yi, xi]

    c000 = g(z0, y0, x0); c001 = g(z0, y0, x1)
    c010 = g(z0, y1, x0); c011 = g(z0, y1, x1)
    c100 = g(z1, y0, x0); c101 = g(z1, y0, x1)
    c110 = g(z1, y1, x0); c111 = g(z1, y1, x1)

    out = (c000 * (1 - wz) * (1 - wy) * (1 - wx)
           + c001 * (1 - wz) * (1 - wy) * wx
           + c010 * (1 - wz) * wy * (1 - wx)
           + c011 * (1 - wz) * wy * wx
           + c100 * wz * (1 - wy) * (1 - wx)
           + c101 * wz * (1 - wy) * wx
           + c110 * wz * wy * (1 - wx)
           + c111 * wz * wy * wx)
    # [3, B, H, W] -> [B, 3, H, W]
    return jnp.transpose(out, (1, 0, 2, 3))

if __name__ == "__main__":
    import jax
    _d = setup_inputs()
    print(jax.jit(kernel)(*tuple(_d.values())))

</pallas_src>

<mosaic_0001>
#map = affine_map<(d0, d1) -> (0)>
#map1 = affine_map<(d0, d1) -> (0, 0, 0, 0)>
module attributes {stable_mosaic.version = 14 : i64} {
  func.func @_body(%arg0: i32, %arg1: i32, %arg2: memref<107811xf32, #tpu.memory_space<hbm>>, %arg3: memref<8x3x512x512xf32, #tpu.memory_space<hbm>>, %arg4: memref<8x3x512x512xf32, #tpu.memory_space<hbm>>, %arg5: memref<107811xf32, #tpu.memory_space<vmem>>, %arg6: memref<2x512xf32, #tpu.memory_space<vmem>>, %arg7: memref<2x512xf32, #tpu.memory_space<vmem>>, %arg8: memref<2x512xf32, #tpu.memory_space<vmem>>, %arg9: memref<2x512xf32, #tpu.memory_space<vmem>>, %arg10: memref<2x512xf32, #tpu.memory_space<vmem>>, %arg11: memref<2x512xf32, #tpu.memory_space<vmem>>, %arg12: memref<2x512xf32, #tpu.memory_space<vmem>>, %arg13: memref<2x512xf32, #tpu.memory_space<vmem>>, %arg14: memref<2x512xf32, #tpu.memory_space<vmem>>, %arg15: memref<2x512xf32, #tpu.memory_space<vmem>>, %arg16: memref<2x512xf32, #tpu.memory_space<vmem>>, %arg17: memref<2x512xf32, #tpu.memory_space<vmem>>, %arg18: memref<!tpu.dma_semaphore, #tpu.memory_space<semaphore_mem>>, %arg19: memref<!tpu.dma_semaphore, #tpu.memory_space<semaphore_mem>>, %arg20: memref<!tpu.dma_semaphore, #tpu.memory_space<semaphore_mem>>, %arg21: memref<!tpu.dma_semaphore, #tpu.memory_space<semaphore_mem>>) attributes {dimension_semantics = [#tpu.dimension_semantics<core_parallel>, #tpu.dimension_semantics<subcore_parallel>], iteration_bounds = array<i64: 2, 16>, scalar_prefetch = 0 : i64, scratch_operands = 17 : i64, tpu.core_type = #tpu.core_type<sc_vector_subcore>, window_params = [{transform_indices = #map}, {transform_indices = #map1}, {transform_indices = #map1}]} {
    %mul3A = arith.constant 2 : i32
    %mul3A_0 = arith.muli %arg1, %mul3A : i32
    %add3A = arith.addi %mul3A_0, %arg0 : i32
    %jit3A = arith.constant 4 : i32
    %div3A = arith.divsi %add3A, %jit3A : i32
    %sign3A = arith.constant 0 : i32
    %sign3A_1 = arith.cmpi sgt, %add3A, %sign3A : i32
    %sign3A_2 = arith.extui %sign3A_1 : i1 to i32
    %sign3A_3 = arith.constant 0 : i32
    %sign3A_4 = arith.cmpi slt, %add3A, %sign3A_3 : i32
    %sign3A_5 = arith.extui %sign3A_4 : i1 to i32
    %sign3A_6 = arith.subi %sign3A_2, %sign3A_5 : i32
    %sign3A_7 = arith.constant 0 : i32
    %sign3A_8 = arith.cmpi sgt, %jit3A, %sign3A_7 : i32
    %sign3A_9 = arith.extui %sign3A_8 : i1 to i32
    %sign3A_10 = arith.constant 0 : i32
    %sign3A_11 = arith.cmpi slt, %jit3A, %sign3A_10 : i32
    %sign3A_12 = arith.extui %sign3A_11 : i1 to i32
    %sign3A_13 = arith.subi %sign3A_9, %sign3A_12 : i32
    %ne3A = arith.cmpi ne, %sign3A_6, %sign3A_13 : i32
    %rem3A = arith.remsi %add3A, %jit3A : i32
    %ne3A_14 = arith.constant 0 : i32
    %ne3A_15 = arith.cmpi ne, %rem3A, %ne3A_14 : i32
    %and3A = arith.andi %ne3A, %ne3A_15 : i1
    %sub3A = arith.constant 1 : i32
    %sub3A_16 = arith.subi %div3A, %sub3A : i32
    %select_n3A = arith.select %and3A, %sub3A_16, %div3A : i32
    %jit3A_17 = arith.constant 4 : i32
    %eq3A = arith.constant 0 : i32
    %eq3A_18 = arith.cmpi eq, %jit3A_17, %eq3A : i32
    %jit3A_19 = arith.constant 1 : i32
    %select_n3A_20 = arith.select %eq3A_18, %jit3A_19, %jit3A_17 : i32
    %rem3A_21 = arith.remsi %add3A, %select_n3A_20 : i32
    %ne3A_22 = arith.constant 0 : i32
    %ne3A_23 = arith.cmpi ne, %rem3A_21, %ne3A_22 : i32
    %lt3A = arith.constant 0 : i32
    %lt3A_24 = arith.cmpi slt, %rem3A_21, %lt3A : i32
    %lt3A_25 = arith.constant 0 : i32
    %lt3A_26 = arith.cmpi slt, %select_n3A_20, %lt3A_25 : i32
    %ne3A_27 = arith.xori %lt3A_24, %lt3A_26 : i1
    %and3A_28 = arith.andi %ne3A_27, %ne3A_23 : i1
    %add3A_29 = arith.addi %rem3A_21, %select_n3A_20 : i32
    %select_n3A_30 = arith.select %and3A_28, %add3A_29, %rem3A_21 : i32
    %mul3A_31 = arith.constant 128 : i32
    %mul3A_32 = arith.muli %select_n3A_30, %mul3A_31 : i32
    %add3A_33 = arith.constant 0 : i32
    %add3A_34 = arith.addi %mul3A_32, %add3A_33 : i32
    %dma_start3A = arith.constant 0 : i32
    %dma_start3A_35 = arith.constant 0 : i32
    %dma_start3A_36 = tpu.memref_slice %arg3[%select_n3A, %dma_start3A, %add3A_34, %dma_start3A_35] : memref<8x3x512x512xf32, #tpu.memory_space<hbm>> -> memref<1x1x2x512xf32, #tpu.memory_space<hbm>>
    %dma_start3A_37 = tpu.memref_squeeze %dma_start3A_36 : memref<1x1x2x512xf32, #tpu.memory_space<hbm>> -> memref<2x512xf32, #tpu.memory_space<hbm>>
    %dma_start3A_38 = arith.constant 0 : i32
    %dma_start3A_39 = tpu.memref_slice %arg3[%select_n3A, %dma_start3A, %add3A_34, %dma_start3A_38] : memref<8x3x512x512xf32, #tpu.memory_space<hbm>> -> memref<1x1x2x512xf32, #tpu.memory_space<hbm>>
    %dma_start3A_40 = tpu.memref_squeeze %dma_start3A_39 : memref<1x1x2x512xf32, #tpu.memory_space<hbm>> -> memref<2x512xf32, #tpu.memory_space<hbm>>
    tpu.enqueue_dma source(%dma_start3A_40 : memref<2x512xf32, #tpu.memory_space<hbm>>) target(%arg6 : memref<2x512xf32, #tpu.memory_space<vmem>>) target_semaphore(%arg18 : memref<!tpu.dma_semaphore, #tpu.memory_space<semaphore_mem>>)
    %dma_start3A_41 = arith.constant 1 : i32
    %dma_start3A_42 = arith.constant 0 : i32
    %dma_start3A_43 = tpu.memref_slice %arg3[%select_n3A, %dma_start3A_41, %add3A_34, %dma_start3A_42] : memref<8x3x512x512xf32, #tpu.memory_space<hbm>> -> memref<1x1x2x512xf32, #tpu.memory_space<hbm>>
    %dma_start3A_44 = tpu.memref_squeeze %dma_start3A_43 : memref<1x1x2x512xf32, #tpu.memory_space<hbm>> -> memref<2x512xf32, #tpu.memory_space<hbm>>
    %dma_start3A_45 = arith.constant 0 : i32
    %dma_start3A_46 = tpu.memref_slice %arg3[%select_n3A, %dma_start3A_41, %add3A_34, %dma_start3A_45] : memref<8x3x512x512xf32, #tpu.memory_space<hbm>> -> memref<1x1x2x512xf32, #tpu.memory_space<hbm>>
    %dma_start3A_47 = tpu.memref_squeeze %dma_start3A_46 : memref<1x1x2x512xf32, #tpu.memory_space<hbm>> -> memref<2x512xf32, #tpu.memory_space<hbm>>
    tpu.enqueue_dma source(%dma_start3A_47 : memref<2x512xf32, #tpu.memory_space<hbm>>) target(%arg7 : memref<2x512xf32, #tpu.memory_space<vmem>>) target_semaphore(%arg18 : memref<!tpu.dma_semaphore, #tpu.memory_space<semaphore_mem>>)
    %dma_start3A_48 = arith.constant 2 : i32
    %dma_start3A_49 = arith.constant 0 : i32
    %dma_start3A_50 = tpu.memref_slice %arg3[%select_n3A, %dma_start3A_48, %add3A_34, %dma_start3A_49] : memref<8x3x512x512xf32, #tpu.memory_space<hbm>> -> memref<1x1x2x512xf32, #tpu.memory_space<hbm>>
    %dma_start3A_51 = tpu.memref_squeeze %dma_start3A_50 : memref<1x1x2x512xf32, #tpu.memory_space<hbm>> -> memref<2x512xf32, #tpu.memory_space<hbm>>
    %dma_start3A_52 = arith.constant 0 : i32
    %dma_start3A_53 = tpu.memref_slice %arg3[%select_n3A, %dma_start3A_48, %add3A_34, %dma_start3A_52] : memref<8x3x512x512xf32, #tpu.memory_space<hbm>> -> memref<1x1x2x512xf32, #tpu.memory_space<hbm>>
    %dma_start3A_54 = tpu.memref_squeeze %dma_start3A_53 : memref<1x1x2x512xf32, #tpu.memory_space<hbm>> -> memref<2x512xf32, #tpu.memory_space<hbm>>
    tpu.enqueue_dma source(%dma_start3A_54 : memref<2x512xf32, #tpu.memory_space<hbm>>) target(%arg8 : memref<2x512xf32, #tpu.memory_space<vmem>>) target_semaphore(%arg18 : memref<!tpu.dma_semaphore, #tpu.memory_space<semaphore_mem>>)
    %add3A_55 = arith.constant 2 : i32
    %add3A_56 = arith.addi %mul3A_32, %add3A_55 : i32
    %dma_start3A_57 = arith.constant 0 : i32
    %dma_start3A_58 = arith.constant 0 : i32
    %dma_start3A_59 = tpu.memref_slice %arg3[%select_n3A, %dma_start3A_57, %add3A_56, %dma_start3A_58] : memref<8x3x512x512xf32, #tpu.memory_space<hbm>> -> memref<1x1x2x512xf32, #tpu.memory_space<hbm>>
    %dma_start3A_60 = tpu.memref_squeeze %dma_start3A_59 : memref<1x1x2x512xf32, #tpu.memory_space<hbm>> -> memref<2x512xf32, #tpu.memory_space<hbm>>
    %dma_start3A_61 = arith.constant 0 : i32
    %dma_start3A_62 = tpu.memref_slice %arg3[%select_n3A, %dma_start3A_57, %add3A_56, %dma_start3A_61] : memref<8x3x512x512xf32, #tpu.memory_space<hbm>> -> memref<1x1x2x512xf32, #tpu.memory_space<hbm>>
    %dma_start3A_63 = tpu.memref_squeeze %dma_start3A_62 : memref<1x1x2x512xf32, #tpu.memory_space<hbm>> -> memref<2x512xf32, #tpu.memory_space<hbm>>
    tpu.enqueue_dma source(%dma_start3A_63 : memref<2x512xf32, #tpu.memory_space<hbm>>) target(%arg9 : memref<2x512xf32, #tpu.memory_space<vmem>>) target_semaphore(%arg19 : memref<!tpu.dma_semaphore, #tpu.memory_space<semaphore_mem>>)
    %dma_start3A_64 = arith.constant 1 : i32
    %dma_start3A_65 = arith.constant 0 : i32
    %dma_start3A_66 = tpu.memref_slice %arg3[%select_n3A, %dma_start3A_64, %add3A_56, %dma_start3A_65] : memref<8x3x512x512xf32, #tpu.memory_space<hbm>> -> memref<1x1x2x512xf32, #tpu.memory_space<hbm>>
    %dma_start3A_67 = tpu.memref_squeeze %dma_start3A_66 : memref<1x1x2x512xf32, #tpu.memory_space<hbm>> -> memref<2x512xf32, #tpu.memory_space<hbm>>
    %dma_start3A_68 = arith.constant 0 : i32
    %dma_start3A_69 = tpu.memref_slice %arg3[%select_n3A, %dma_start3A_64, %add3A_56, %dma_start3A_68] : memref<8x3x512x512xf32, #tpu.memory_space<hbm>> -> memref<1x1x2x512xf32, #tpu.memory_space<hbm>>
    %dma_start3A_70 = tpu.memref_squeeze %dma_start3A_69 : memref<1x1x2x512xf32, #tpu.memory_space<hbm>> -> memref<2x512xf32, #tpu.memory_space<hbm>>
    tpu.enqueue_dma source(%dma_start3A_70 : memref<2x512xf32, #tpu.memory_space<hbm>>) target(%arg10 : memref<2x512xf32, #tpu.memory_space<vmem>>) target_semaphore(%arg19 : memref<!tpu.dma_semaphore, #tpu.memory_space<semaphore_mem>>)
    %dma_start3A_71 = arith.constant 2 : i32
    %dma_start3A_72 = arith.constant 0 : i32
    %dma_start3A_73 = tpu.memref_slice %arg3[%select_n3A, %dma_start3A_71, %add3A_56, %dma_start3A_72] : memref<8x3x512x512xf32, #tpu.memory_space<hbm>> -> memref<1x1x2x512xf32, #tpu.memory_space<hbm>>
    %dma_start3A_74 = tpu.memref_squeeze %dma_start3A_73 : memref<1x1x2x512xf32, #tpu.memory_space<hbm>> -> memref<2x512xf32, #tpu.memory_space<hbm>>
    %dma_start3A_75 = arith.constant 0 : i32
    %dma_start3A_76 = tpu.memref_slice %arg3[%select_n3A, %dma_start3A_71, %add3A_56, %dma_start3A_75] : memref<8x3x512x512xf32, #tpu.memory_space<hbm>> -> memref<1x1x2x512xf32, #tpu.memory_space<hbm>>
    %dma_start3A_77 = tpu.memref_squeeze %dma_start3A_76 : memref<1x1x2x512xf32, #tpu.memory_space<hbm>> -> memref<2x512xf32, #tpu.memory_space<hbm>>
    tpu.enqueue_dma source(%dma_start3A_77 : memref<2x512xf32, #tpu.memory_space<hbm>>) target(%arg11 : memref<2x512xf32, #tpu.memory_space<vmem>>) target_semaphore(%arg19 : memref<!tpu.dma_semaphore, #tpu.memory_space<semaphore_mem>>)
    "tpu.region"() ({
      %run_scoped3A = tpu.sem_alloc : memref<!tpu.dma_semaphore, #tpu.memory_space<semaphore_mem>>
      tpu.enqueue_dma source(%arg2 : memref<107811xf32, #tpu.memory_space<hbm>>) target(%arg5 : memref<107811xf32, #tpu.memory_space<vmem>>) target_semaphore(%run_scoped3A : memref<!tpu.dma_semaphore, #tpu.memory_space<semaphore_mem>>)
      tpu.wait_dma2 semaphore(%run_scoped3A : memref<!tpu.dma_semaphore, #tpu.memory_space<semaphore_mem>>) src(%arg2 : memref<107811xf32, #tpu.memory_space<hbm>>) dst(%arg5 : memref<107811xf32, #tpu.memory_space<vmem>>)
      tpu.yield
    }) : () -> ()
    %scan3A = arith.constant 0 : i32
    %scan3A_78 = arith.constant 32 : i32
    %scan3A_79 = arith.addi %scan3A, %scan3A_78 : i32
    %scan3A_80 = arith.constant 1 : i32
    scf.for %scan3A_141 = %scan3A to %scan3A_79 step %scan3A_80  : i32 {
      %mul3A_142 = arith.constant 2 : i32
      %mul3A_143 = arith.muli %scan3A_141, %mul3A_142 : i32
      %add3A_144 = arith.constant 0 : i32
      %add3A_145 = arith.addi %add3A_144, %mul3A_143 : i32
      %add3A_146 = arith.constant 0 : i32
      %add3A_147 = arith.addi %add3A_145, %add3A_146 : i32
      %dma_wait3A_148 = arith.constant 0 : i32
      %dma_wait3A_149 = arith.constant 0 : i32
      %dma_wait3A_150 = arith.constant 0 : i32
      %dma_wait3A_151 = arith.constant 0 : i32
      %dma_wait3A_152 = tpu.memref_slice %arg3[%dma_wait3A_148, %dma_wait3A_149, %dma_wait3A_150, %dma_wait3A_151] : memref<8x3x512x512xf32, #tpu.memory_space<hbm>> -> memref<1x1x2x512xf32, #tpu.memory_space<hbm>>
      %dma_wait3A_153 = tpu.memref_squeeze %dma_wait3A_152 : memref<1x1x2x512xf32, #tpu.memory_space<hbm>> -> memref<2x512xf32, #tpu.memory_space<hbm>>
      %dma_wait3A_154 = arith.constant 0 : i32
      %dma_wait3A_155 = arith.constant 0 : i32
      %dma_wait3A_156 = tpu.memref_slice %arg3[%dma_wait3A_148, %dma_wait3A_149, %dma_wait3A_154, %dma_wait3A_155] : memref<8x3x512x512xf32, #tpu.memory_space<hbm>> -> memref<1x1x2x512xf32, #tpu.memory_space<hbm>>
      %dma_wait3A_157 = tpu.memref_squeeze %dma_wait3A_156 : memref<1x1x2x512xf32, #tpu.memory_space<hbm>> -> memref<2x512xf32, #tpu.memory_space<hbm>>
      tpu.wait_dma2 semaphore(%arg18 : memref<!tpu.dma_semaphore, #tpu.memory_space<semaphore_mem>>) src(%dma_wait3A_157 : memref<2x512xf32, #tpu.memory_space<hbm>>) dst(%arg6 : memref<2x512xf32, #tpu.memory_space<vmem>>)
      %dma_wait3A_158 = arith.constant 0 : i32
      %dma_wait3A_159 = arith.constant 0 : i32
      %dma_wait3A_160 = arith.constant 0 : i32
      %dma_wait3A_161 = arith.constant 0 : i32
      %dma_wait3A_162 = tpu.memref_slice %arg3[%dma_wait3A_158, %dma_wait3A_159, %dma_wait3A_160, %dma_wait3A_161] : memref<8x3x512x512xf32, #tpu.memory_space<hbm>> -> memref<1x1x2x512xf32, #tpu.memory_space<hbm>>
      %dma_wait3A_163 = tpu.memref_squeeze %dma_wait3A_162 : memref<1x1x2x512xf32, #tpu.memory_space<hbm>> -> memref<2x512xf32, #tpu.memory_space<hbm>>
      %dma_wait3A_164 = arith.constant 0 : i32
      %dma_wait3A_165 = arith.constant 0 : i32
      %dma_wait3A_166 = tpu.memref_slice %arg3[%dma_wait3A_158, %dma_wait3A_159, %dma_wait3A_164, %dma_wait3A_165] : memref<8x3x512x512xf32, #tpu.memory_space<hbm>> -> memref<1x1x2x512xf32, #tpu.memory_space<hbm>>
      %dma_wait3A_167 = tpu.memref_squeeze %dma_wait3A_166 : memref<1x1x2x512xf32, #tpu.memory_space<hbm>> -> memref<2x512xf32, #tpu.memory_space<hbm>>
      tpu.wait_dma2 semaphore(%arg18 : memref<!tpu.dma_semaphore, #tpu.memory_space<semaphore_mem>>) src(%dma_wait3A_167 : memref<2x512xf32, #tpu.memory_space<hbm>>) dst(%arg7 : memref<2x512xf32, #tpu.memory_space<vmem>>)
      %dma_wait3A_168 = arith.constant 0 : i32
      %dma_wait3A_169 = arith.constant 0 : i32
      %dma_wait3A_170 = arith.constant 0 : i32
      %dma_wait3A_171 = arith.constant 0 : i32
      %dma_wait3A_172 = tpu.memref_slice %arg3[%dma_wait3A_168, %dma_wait3A_169, %dma_wait3A_170, %dma_wait3A_171] : memref<8x3x512x512xf32, #tpu.memory_space<hbm>> -> memref<1x1x2x512xf32, #tpu.memory_space<hbm>>
      %dma_wait3A_173 = tpu.memref_squeeze %dma_wait3A_172 : memref<1x1x2x512xf32, #tpu.memory_space<hbm>> -> memref<2x512xf32, #tpu.memory_space<hbm>>
      %dma_wait3A_174 = arith.constant 0 : i32
      %dma_wait3A_175 = arith.constant 0 : i32
      %dma_wait3A_176 = tpu.memref_slice %arg3[%dma_wait3A_168, %dma_wait3A_169, %dma_wait3A_174, %dma_wait3A_175] : memref<8x3x512x512xf32, #tpu.memory_space<hbm>> -> memref<1x1x2x512xf32, #tpu.memory_space<hbm>>
      %dma_wait3A_177 = tpu.memref_squeeze %dma_wait3A_176 : memref<1x1x2x512xf32, #tpu.memory_space<hbm>> -> memref<2x512xf32, #tpu.memory_space<hbm>>
      tpu.wait_dma2 semaphore(%arg18 : memref<!tpu.dma_semaphore, #tpu.memory_space<semaphore_mem>>) src(%dma_wait3A_177 : memref<2x512xf32, #tpu.memory_space<hbm>>) dst(%arg8 : memref<2x512xf32, #tpu.memory_space<vmem>>)
      %ge3A = arith.constant 2 : i32
      %ge3A_178 = arith.cmpi sge, %add3A_147, %ge3A : i32
      %convert_element_type3A = arith.extui %ge3A_178 : i1 to i32
      %cond3A = arith.constant 0 : i32
      %cond3A_179 = arith.cmpi ne, %convert_element_type3A, %cond3A : i32
      scf.if %cond3A_179 {
        %dma_wait3A_284 = arith.constant 0 : i32
        %dma_wait3A_285 = arith.constant 0 : i32
        %dma_wait3A_286 = arith.constant 0 : i32
        %dma_wait3A_287 = arith.constant 0 : i32
        %dma_wait3A_288 = tpu.memref_slice %arg4[%dma_wait3A_284, %dma_wait3A_285, %dma_wait3A_286, %dma_wait3A_287] : memref<8x3x512x512xf32, #tpu.memory_space<hbm>> -> memref<1x1x2x512xf32, #tpu.memory_space<hbm>>
        %dma_wait3A_289 = tpu.memref_squeeze %dma_wait3A_288 : memref<1x1x2x512xf32, #tpu.memory_space<hbm>> -> memref<2x512xf32, #tpu.memory_space<hbm>>
        %dma_wait3A_290 = arith.constant 0 : i32
        %dma_wait3A_291 = arith.constant 0 : i32
        %dma_wait3A_292 = tpu.memref_slice %arg4[%dma_wait3A_284, %dma_wait3A_285, %dma_wait3A_290, %dma_wait3A_291] : memref<8x3x512x512xf32, #tpu.memory_space<hbm>> -> memref<1x1x2x512xf32, #tpu.memory_space<hbm>>
        %dma_wait3A_293 = tpu.memref_squeeze %dma_wait3A_292 : memref<1x1x2x512xf32, #tpu.memory_space<hbm>> -> memref<2x512xf32, #tpu.memory_space<hbm>>
        tpu.wait_dma2 semaphore(%arg20 : memref<!tpu.dma_semaphore, #tpu.memory_space<semaphore_mem>>) src(%arg12 : memref<2x512xf32, #tpu.memory_space<vmem>>) dst(%dma_wait3A_293 : memref<2x512xf32, #tpu.memory_space<hbm>>)
        %dma_wait3A_294 = arith.constant 0 : i32
        %dma_wait3A_295 = arith.constant 0 : i32
        %dma_wait3A_296 = arith.constant 0 : i32
        %dma_wait3A_297 = arith.constant 0 : i32
        %dma_wait3A_298 = tpu.memref_slice %arg4[%dma_wait3A_294, %dma_wait3A_295, %dma_wait3A_296, %dma_wait3A_297] : memref<8x3x512x512xf32, #tpu.memory_space<hbm>> -> memref<1x1x2x512xf32, #tpu.memory_space<hbm>>
        %dma_wait3A_299 = tpu.memref_squeeze %dma_wait3A_298 : memref<1x1x2x512xf32, #tpu.memory_space<hbm>> -> memref<2x512xf32, #tpu.memory_space<hbm>>
        %dma_wait3A_300 = arith.constant 0 : i32
        %dma_wait3A_301 = arith.constant 0 : i32
        %dma_wait3A_302 = tpu.memref_slice %arg4[%dma_wait3A_294, %dma_wait3A_295, %dma_wait3A_300, %dma_wait3A_301] : memref<8x3x512x512xf32, #tpu.memory_space<hbm>> -> memref<1x1x2x512xf32, #tpu.memory_space<hbm>>
        %dma_wait3A_303 = tpu.memref_squeeze %dma_wait3A_302 : memref<1x1x2x512xf32, #tpu.memory_space<hbm>> -> memref<2x512xf32, #tpu.memory_space<hbm>>
        tpu.wait_dma2 semaphore(%arg20 : memref<!tpu.dma_semaphore, #tpu.memory_space<semaphore_mem>>) src(%arg13 : memref<2x512xf32, #tpu.memory_space<vmem>>) dst(%dma_wait3A_303 : memref<2x512xf32, #tpu.memory_space<hbm>>)
        %dma_wait3A_304 = arith.constant 0 : i32
        %dma_wait3A_305 = arith.constant 0 : i32
        %dma_wait3A_306 = arith.constant 0 : i32
        %dma_wait3A_307 = arith.constant 0 : i32
        %dma_wait3A_308 = tpu.memref_slice %arg4[%dma_wait3A_304, %dma_wait3A_305, %dma_wait3A_306, %dma_wait3A_307] : memref<8x3x512x512xf32, #tpu.memory_space<hbm>> -> memref<1x1x2x512xf32, #tpu.memory_space<hbm>>
        %dma_wait3A_309 = tpu.memref_squeeze %dma_wait3A_308 : memref<1x1x2x512xf32, #tpu.memory_space<hbm>> -> memref<2x512xf32, #tpu.memory_space<hbm>>
        %dma_wait3A_310 = arith.constant 0 : i32
        %dma_wait3A_311 = arith.constant 0 : i32
        %dma_wait3A_312 = tpu.memref_slice %arg4[%dma_wait3A_304, %dma_wait3A_305, %dma_wait3A_310, %dma_wait3A_311] : memref<8x3x512x512xf32, #tpu.memory_space<hbm>> -> memref<1x1x2x512xf32, #tpu.memory_space<hbm>>
        %dma_wait3A_313 = tpu.memref_squeeze %dma_wait3A_312 : memref<1x1x2x512xf32, #tpu.memory_space<hbm>> -> memref<2x512xf32, #tpu.memory_space<hbm>>
        tpu.wait_dma2 semaphore(%arg20 : memref<!tpu.dma_semaphore, #tpu.memory_space<semaphore_mem>>) src(%arg14 : memref<2x512xf32, #tpu.memory_space<vmem>>) dst(%dma_wait3A_313 : memref<2x512xf32, #tpu.memory_space<hbm>>)
      } else {
      }
      %parallel_loop3A = arith.constant 0 : i32
      %parallel_loop3A_180 = arith.constant 64 : i32
      %parallel_loop3A_181 = arith.constant 1 : i32
      scf.for %parallel_loop3A_284 = %parallel_loop3A to %parallel_loop3A_180 step %parallel_loop3A_181  : i32 {
        %parallel_loop3A_285 = arith.constant 32 : i32
        %parallel_loop3A_286 = arith.divsi %parallel_loop3A_284, %parallel_loop3A_285 : i32
        %parallel_loop3A_287 = arith.constant 0 : i32
        %parallel_loop3A_288 = arith.cmpi sgt, %parallel_loop3A_284, %parallel_loop3A_287 : i32
        %parallel_loop3A_289 = arith.extui %parallel_loop3A_288 : i1 to i32
        %parallel_loop3A_290 = arith.constant 0 : i32
        %parallel_loop3A_291 = arith.cmpi slt, %parallel_loop3A_284, %parallel_loop3A_290 : i32
        %parallel_loop3A_292 = arith.extui %parallel_loop3A_291 : i1 to i32
        %parallel_loop3A_293 = arith.subi %parallel_loop3A_289, %parallel_loop3A_292 : i32
        %parallel_loop3A_294 = arith.constant 0 : i32
        %parallel_loop3A_295 = arith.cmpi sgt, %parallel_loop3A_285, %parallel_loop3A_294 : i32
        %parallel_loop3A_296 = arith.extui %parallel_loop3A_295 : i1 to i32
        %parallel_loop3A_297 = arith.constant 0 : i32
        %parallel_loop3A_298 = arith.cmpi slt, %parallel_loop3A_285, %parallel_loop3A_297 : i32
        %parallel_loop3A_299 = arith.extui %parallel_loop3A_298 : i1 to i32
        %parallel_loop3A_300 = arith.subi %parallel_loop3A_296, %parallel_loop3A_299 : i32
        %parallel_loop3A_301 = arith.cmpi ne, %parallel_loop3A_293, %parallel_loop3A_300 : i32
        %parallel_loop3A_302 = arith.remsi %parallel_loop3A_284, %parallel_loop3A_285 : i32
        %parallel_loop3A_303 = arith.constant 0 : i32
        %parallel_loop3A_304 = arith.cmpi ne, %parallel_loop3A_302, %parallel_loop3A_303 : i32
        %parallel_loop3A_305 = arith.andi %parallel_loop3A_301, %parallel_loop3A_304 : i1
        %parallel_loop3A_306 = arith.constant 1 : i32
        %parallel_loop3A_307 = arith.subi %parallel_loop3A_286, %parallel_loop3A_306 : i32
        %parallel_loop3A_308 = arith.select %parallel_loop3A_305, %parallel_loop3A_307, %parallel_loop3A_286 : i32
        %parallel_loop3A_309 = arith.constant 32 : i32
        %parallel_loop3A_310 = arith.constant 0 : i32
        %parallel_loop3A_311 = arith.cmpi eq, %parallel_loop3A_309, %parallel_loop3A_310 : i32
        %parallel_loop3A_312 = arith.constant 1 : i32
        %parallel_loop3A_313 = arith.select %parallel_loop3A_311, %parallel_loop3A_312, %parallel_loop3A_309 : i32
        %parallel_loop3A_314 = arith.remsi %parallel_loop3A_284, %parallel_loop3A_313 : i32
        %parallel_loop3A_315 = arith.constant 0 : i32
        %parallel_loop3A_316 = arith.cmpi ne, %parallel_loop3A_314, %parallel_loop3A_315 : i32
        %parallel_loop3A_317 = arith.constant 0 : i32
        %parallel_loop3A_318 = arith.cmpi slt, %parallel_loop3A_314, %parallel_loop3A_317 : i32
        %parallel_loop3A_319 = arith.constant 0 : i32
        %parallel_loop3A_320 = arith.cmpi slt, %parallel_loop3A_313, %parallel_loop3A_319 : i32
        %parallel_loop3A_321 = arith.xori %parallel_loop3A_318, %parallel_loop3A_320 : i1
        %parallel_loop3A_322 = arith.andi %parallel_loop3A_321, %parallel_loop3A_316 : i1
        %parallel_loop3A_323 = arith.addi %parallel_loop3A_314, %parallel_loop3A_313 : i32
        %parallel_loop3A_324 = arith.select %parallel_loop3A_322, %parallel_loop3A_323, %parallel_loop3A_314 : i32
        %parallel_loop3A_325 = arith.constant 16 : i32
        %parallel_loop3A_326 = arith.muli %parallel_loop3A_324, %parallel_loop3A_325 : i32
        %parallel_loop3A_327 = arith.index_cast %parallel_loop3A_308 : i32 to index
        %parallel_loop3A_328 = arith.index_cast %parallel_loop3A_326 : i32 to index
        %parallel_loop3A_329 = tpu.vector_load %arg6[%parallel_loop3A_327, %parallel_loop3A_328] {strides = array<i32>} : memref<2x512xf32, #tpu.memory_space<vmem>>, vector<16xf32>,
        %parallel_loop3A_330 = arith.constant 3.200000e+01 : f32
        %parallel_loop3A_331 = vector.broadcast %parallel_loop3A_330 : f32 to vector<16xf32>
        %parallel_loop3A_332 = arith.mulf %parallel_loop3A_329, %parallel_loop3A_331 : vector<16xf32>
        %parallel_loop3A_333 = arith.fptosi %parallel_loop3A_332 : vector<16xf32> to vector<16xi32>
        %parallel_loop3A_334 = arith.sitofp %parallel_loop3A_333 : vector<16xi32> to vector<16xf32>
        %parallel_loop3A_335 = arith.subf %parallel_loop3A_332, %parallel_loop3A_334 : vector<16xf32>
        %parallel_loop3A_336 = arith.constant 1 : i32
        %parallel_loop3A_337 = vector.broadcast %parallel_loop3A_336 : i32 to vector<16xi32>
        %parallel_loop3A_338 = arith.addi %parallel_loop3A_333, %parallel_loop3A_337 : vector<16xi32>
        %parallel_loop3A_339 = arith.index_cast %parallel_loop3A_308 : i32 to index
        %parallel_loop3A_340 = arith.index_cast %parallel_loop3A_326 : i32 to index
        %parallel_loop3A_341 = tpu.vector_load %arg7[%parallel_loop3A_339, %parallel_loop3A_340] {strides = array<i32>} : memref<2x512xf32, #tpu.memory_space<vmem>>, vector<16xf32>,
        %parallel_loop3A_342 = arith.constant 3.200000e+01 : f32
        %parallel_loop3A_343 = vector.broadcast %parallel_loop3A_342 : f32 to vector<16xf32>
        %parallel_loop3A_344 = arith.mulf %parallel_loop3A_341, %parallel_loop3A_343 : vector<16xf32>
        %parallel_loop3A_345 = arith.fptosi %parallel_loop3A_344 : vector<16xf32> to vector<16xi32>
        %parallel_loop3A_346 = arith.sitofp %parallel_loop3A_345 : vector<16xi32> to vector<16xf32>
        %parallel_loop3A_347 = arith.subf %parallel_loop3A_344, %parallel_loop3A_346 : vector<16xf32>
        %parallel_loop3A_348 = arith.constant 1 : i32
        %parallel_loop3A_349 = vector.broadcast %parallel_loop3A_348 : i32 to vector<16xi32>
        %parallel_loop3A_350 = arith.addi %parallel_loop3A_345, %parallel_loop3A_349 : vector<16xi32>
        %parallel_loop3A_351 = arith.index_cast %parallel_loop3A_308 : i32 to index
        %parallel_loop3A_352 = arith.index_cast %parallel_loop3A_326 : i32 to index
        %parallel_loop3A_353 = tpu.vector_load %arg8[%parallel_loop3A_351, %parallel_loop3A_352] {strides = array<i32>} : memref<2x512xf32, #tpu.memory_space<vmem>>, vector<16xf32>,
        %parallel_loop3A_354 = arith.constant 3.200000e+01 : f32
        %parallel_loop3A_355 = vector.broadcast %parallel_loop3A_354 : f32 to vector<16xf32>
        %parallel_loop3A_356 = arith.mulf %parallel_loop3A_353, %parallel_loop3A_355 : vector<16xf32>
        %parallel_loop3A_357 = arith.fptosi %parallel_loop3A_356 : vector<16xf32> to vector<16xi32>
        %parallel_loop3A_358 = arith.sitofp %parallel_loop3A_357 : vector<16xi32> to vector<16xf32>
        %parallel_loop3A_359 = arith.subf %parallel_loop3A_356, %parallel_loop3A_358 : vector<16xf32>
        %parallel_loop3A_360 = arith.constant 1 : i32
        %parallel_loop3A_361 = vector.broadcast %parallel_loop3A_360 : i32 to vector<16xi32>
        %parallel_loop3A_362 = arith.addi %parallel_loop3A_357, %parallel_loop3A_361 : vector<16xi32>
        %parallel_loop3A_363 = arith.constant 1089 : i32
        %parallel_loop3A_364 = vector.broadcast %parallel_loop3A_363 : i32 to vector<16xi32>
        %parallel_loop3A_365 = arith.muli %parallel_loop3A_357, %parallel_loop3A_364 : vector<16xi32>
        %parallel_loop3A_366 = arith.constant 1089 : i32
        %parallel_loop3A_367 = vector.broadcast %parallel_loop3A_366 : i32 to vector<16xi32>
        %parallel_loop3A_368 = arith.muli %parallel_loop3A_362, %parallel_loop3A_367 : vector<16xi32>
        %parallel_loop3A_369 = arith.constant 33 : i32
        %parallel_loop3A_370 = vector.broadcast %parallel_loop3A_369 : i32 to vector<16xi32>
        %parallel_loop3A_371 = arith.muli %parallel_loop3A_345, %parallel_loop3A_370 : vector<16xi32>
        %parallel_loop3A_372 = arith.constant 33 : i32
        %parallel_loop3A_373 = vector.broadcast %parallel_loop3A_372 : i32 to vector<16xi32>
        %parallel_loop3A_374 = arith.muli %parallel_loop3A_350, %parallel_loop3A_373 : vector<16xi32>
        %parallel_loop3A_375 = arith.addi %parallel_loop3A_365, %parallel_loop3A_371 : vector<16xi32>
        %parallel_loop3A_376 = arith.addi %parallel_loop3A_365, %parallel_loop3A_374 : vector<16xi32>
        %parallel_loop3A_377 = arith.addi %parallel_loop3A_368, %parallel_loop3A_371 : vector<16xi32>
        %parallel_loop3A_378 = arith.addi %parallel_loop3A_368, %parallel_loop3A_374 : vector<16xi32>
        %parallel_loop3A_379 = arith.constant 1.000000e+00 : f32
        %parallel_loop3A_380 = vector.broadcast %parallel_loop3A_379 : f32 to vector<16xf32>
        %parallel_loop3A_381 = arith.subf %parallel_loop3A_380, %parallel_loop3A_335 : vector<16xf32>
        %parallel_loop3A_382 = arith.constant 1.000000e+00 : f32
        %parallel_loop3A_383 = vector.broadcast %parallel_loop3A_382 : f32 to vector<16xf32>
        %parallel_loop3A_384 = arith.subf %parallel_loop3A_383, %parallel_loop3A_347 : vector<16xf32>
        %parallel_loop3A_385 = arith.constant 1.000000e+00 : f32
        %parallel_loop3A_386 = vector.broadcast %parallel_loop3A_385 : f32 to vector<16xf32>
        %parallel_loop3A_387 = arith.subf %parallel_loop3A_386, %parallel_loop3A_359 : vector<16xf32>
        %parallel_loop3A_388 = arith.mulf %parallel_loop3A_387, %parallel_loop3A_384 : vector<16xf32>
        %parallel_loop3A_389 = arith.mulf %parallel_loop3A_387, %parallel_loop3A_347 : vector<16xf32>
        %parallel_loop3A_390 = arith.mulf %parallel_loop3A_359, %parallel_loop3A_384 : vector<16xf32>
        %parallel_loop3A_391 = arith.mulf %parallel_loop3A_359, %parallel_loop3A_347 : vector<16xf32>
        %parallel_loop3A_392 = arith.addi %parallel_loop3A_375, %parallel_loop3A_333 : vector<16xi32>
        %parallel_loop3A_393 = arith.mulf %parallel_loop3A_388, %parallel_loop3A_381 : vector<16xf32>
        %parallel_loop3A_394 = tpu.vector_load_idx %arg5[%parallel_loop3A_392] : memref<107811xf32, #tpu.memory_space<vmem>>[vector<16xi32>], vector<16xf32>,
        %parallel_loop3A_395 = arith.mulf %parallel_loop3A_394, %parallel_loop3A_393 : vector<16xf32>
        %parallel_loop3A_396 = arith.constant 35937 : i32
        %parallel_loop3A_397 = vector.broadcast %parallel_loop3A_396 : i32 to vector<16xi32>
        %parallel_loop3A_398 = arith.addi %parallel_loop3A_392, %parallel_loop3A_397 : vector<16xi32>
        %parallel_loop3A_399 = tpu.vector_load_idx %arg5[%parallel_loop3A_398] : memref<107811xf32, #tpu.memory_space<vmem>>[vector<16xi32>], vector<16xf32>,
        %parallel_loop3A_400 = arith.mulf %parallel_loop3A_399, %parallel_loop3A_393 : vector<16xf32>
        %parallel_loop3A_401 = arith.constant 35937 : i32
        %parallel_loop3A_402 = vector.broadcast %parallel_loop3A_401 : i32 to vector<16xi32>
        %parallel_loop3A_403 = arith.addi %parallel_loop3A_398, %parallel_loop3A_402 : vector<16xi32>
        %parallel_loop3A_404 = tpu.vector_load_idx %arg5[%parallel_loop3A_403] : memref<107811xf32, #tpu.memory_space<vmem>>[vector<16xi32>], vector<16xf32>,
        %parallel_loop3A_405 = arith.mulf %parallel_loop3A_404, %parallel_loop3A_393 : vector<16xf32>
        %parallel_loop3A_406 = arith.addi %parallel_loop3A_375, %parallel_loop3A_338 : vector<16xi32>
        %parallel_loop3A_407 = arith.mulf %parallel_loop3A_388, %parallel_loop3A_335 : vector<16xf32>
        %parallel_loop3A_408 = tpu.vector_load_idx %arg5[%parallel_loop3A_406] : memref<107811xf32, #tpu.memory_space<vmem>>[vector<16xi32>], vector<16xf32>,
        %parallel_loop3A_409 = arith.mulf %parallel_loop3A_408, %parallel_loop3A_407 : vector<16xf32>
        %parallel_loop3A_410 = arith.addf %parallel_loop3A_395, %parallel_loop3A_409 : vector<16xf32>
        %parallel_loop3A_411 = arith.constant 35937 : i32
        %parallel_loop3A_412 = vector.broadcast %parallel_loop3A_411 : i32 to vector<16xi32>
        %parallel_loop3A_413 = arith.addi %parallel_loop3A_406, %parallel_loop3A_412 : vector<16xi32>
        %parallel_loop3A_414 = tpu.vector_load_idx %arg5[%parallel_loop3A_413] : memref<107811xf32, #tpu.memory_space<vmem>>[vector<16xi32>], vector<16xf32>,
        %parallel_loop3A_415 = arith.mulf %parallel_loop3A_414, %parallel_loop3A_407 : vector<16xf32>
        %parallel_loop3A_416 = arith.addf %parallel_loop3A_400, %parallel_loop3A_415 : vector<16xf32>
        %parallel_loop3A_417 = arith.constant 35937 : i32
        %parallel_loop3A_418 = vector.broadcast %parallel_loop3A_417 : i32 to vector<16xi32>
        %parallel_loop3A_419 = arith.addi %parallel_loop3A_413, %parallel_loop3A_418 : vector<16xi32>
        %parallel_loop3A_420 = tpu.vector_load_idx %arg5[%parallel_loop3A_419] : memref<107811xf32, #tpu.memory_space<vmem>>[vector<16xi32>], vector<16xf32>,
        %parallel_loop3A_421 = arith.mulf %parallel_loop3A_420, %parallel_loop3A_407 : vector<16xf32>
        %parallel_loop3A_422 = arith.addf %parallel_loop3A_405, %parallel_loop3A_421 : vector<16xf32>
        %parallel_loop3A_423 = arith.addi %parallel_loop3A_376, %parallel_loop3A_333 : vector<16xi32>
        %parallel_loop3A_424 = arith.mulf %parallel_loop3A_389, %parallel_loop3A_381 : vector<16xf32>
        %parallel_loop3A_425 = tpu.vector_load_idx %arg5[%parallel_loop3A_423] : memref<107811xf32, #tpu.memory_space<vmem>>[vector<16xi32>], vector<16xf32>,
        %parallel_loop3A_426 = arith.mulf %parallel_loop3A_425, %parallel_loop3A_424 : vector<16xf32>
        %parallel_loop3A_427 = arith.addf %parallel_loop3A_410, %parallel_loop3A_426 : vector<16xf32>
        %parallel_loop3A_428 = arith.constant 35937 : i32
        %parallel_loop3A_429 = vector.broadcast %parallel_loop3A_428 : i32 to vector<16xi32>
        %parallel_loop3A_430 = arith.addi %parallel_loop3A_423, %parallel_loop3A_429 : vector<16xi32>
        %parallel_loop3A_431 = tpu.vector_load_idx %arg5[%parallel_loop3A_430] : memref<107811xf32, #tpu.memory_space<vmem>>[vector<16xi32>], vector<16xf32>,
        %parallel_loop3A_432 = arith.mulf %parallel_loop3A_431, %parallel_loop3A_424 : vector<16xf32>
        %parallel_loop3A_433 = arith.addf %parallel_loop3A_416, %parallel_loop3A_432 : vector<16xf32>
        %parallel_loop3A_434 = arith.constant 35937 : i32
        %parallel_loop3A_435 = vector.broadcast %parallel_loop3A_434 : i32 to vector<16xi32>
        %parallel_loop3A_436 = arith.addi %parallel_loop3A_430, %parallel_loop3A_435 : vector<16xi32>
        %parallel_loop3A_437 = tpu.vector_load_idx %arg5[%parallel_loop3A_436] : memref<107811xf32, #tpu.memory_space<vmem>>[vector<16xi32>], vector<16xf32>,
        %parallel_loop3A_438 = arith.mulf %parallel_loop3A_437, %parallel_loop3A_424 : vector<16xf32>
        %parallel_loop3A_439 = arith.addf %parallel_loop3A_422, %parallel_loop3A_438 : vector<16xf32>
        %parallel_loop3A_440 = arith.addi %parallel_loop3A_376, %parallel_loop3A_338 : vector<16xi32>
        %parallel_loop3A_441 = arith.mulf %parallel_loop3A_389, %parallel_loop3A_335 : vector<16xf32>
        %parallel_loop3A_442 = tpu.vector_load_idx %arg5[%parallel_loop3A_440] : memref<107811xf32, #tpu.memory_space<vmem>>[vector<16xi32>], vector<16xf32>,
        %parallel_loop3A_443 = arith.mulf %parallel_loop3A_442, %parallel_loop3A_441 : vector<16xf32>
        %parallel_loop3A_444 = arith.addf %parallel_loop3A_427, %parallel_loop3A_443 : vector<16xf32>
        %parallel_loop3A_445 = arith.constant 35937 : i32
        %parallel_loop3A_446 = vector.broadcast %parallel_loop3A_445 : i32 to vector<16xi32>
        %parallel_loop3A_447 = arith.addi %parallel_loop3A_440, %parallel_loop3A_446 : vector<16xi32>
        %parallel_loop3A_448 = tpu.vector_load_idx %arg5[%parallel_loop3A_447] : memref<107811xf32, #tpu.memory_space<vmem>>[vector<16xi32>], vector<16xf32>,
        %parallel_loop3A_449 = arith.mulf %parallel_loop3A_448, %parallel_loop3A_441 : vector<16xf32>
        %parallel_loop3A_450 = arith.addf %parallel_loop3A_433, %parallel_loop3A_449 : vector<16xf32>
        %parallel_loop3A_451 = arith.constant 35937 : i32
        %parallel_loop3A_452 = vector.broadcast %parallel_loop3A_451 : i32 to vector<16xi32>
        %parallel_loop3A_453 = arith.addi %parallel_loop3A_447, %parallel_loop3A_452 : vector<16xi32>
        %parallel_loop3A_454 = tpu.vector_load_idx %arg5[%parallel_loop3A_453] : memref<107811xf32, #tpu.memory_space<vmem>>[vector<16xi32>], vector<16xf32>,
        %parallel_loop3A_455 = arith.mulf %parallel_loop3A_454, %parallel_loop3A_441 : vector<16xf32>
        %parallel_loop3A_456 = arith.addf %parallel_loop3A_439, %parallel_loop3A_455 : vector<16xf32>
        %parallel_loop3A_457 = arith.addi %parallel_loop3A_377, %parallel_loop3A_333 : vector<16xi32>
        %parallel_loop3A_458 = arith.mulf %parallel_loop3A_390, %parallel_loop3A_381 : vector<16xf32>
        %parallel_loop3A_459 = tpu.vector_load_idx %arg5[%parallel_loop3A_457] : memref<107811xf32, #tpu.memory_space<vmem>>[vector<16xi32>], vector<16xf32>,
        %parallel_loop3A_460 = arith.mulf %parallel_loop3A_459, %parallel_loop3A_458 : vector<16xf32>
        %parallel_loop3A_461 = arith.addf %parallel_loop3A_444, %parallel_loop3A_460 : vector<16xf32>
        %parallel_loop3A_462 = arith.constant 35937 : i32
        %parallel_loop3A_463 = vector.broadcast %parallel_loop3A_462 : i32 to vector<16xi32>
        %parallel_loop3A_464 = arith.addi %parallel_loop3A_457, %parallel_loop3A_463 : vector<16xi32>
        %parallel_loop3A_465 = tpu.vector_load_idx %arg5[%parallel_loop3A_464] : memref<107811xf32, #tpu.memory_space<vmem>>[vector<16xi32>], vector<16xf32>,
        %parallel_loop3A_466 = arith.mulf %parallel_loop3A_465, %parallel_loop3A_458 : vector<16xf32>
        %parallel_loop3A_467 = arith.addf %parallel_loop3A_450, %parallel_loop3A_466 : vector<16xf32>
        %parallel_loop3A_468 = arith.constant 35937 : i32
        %parallel_loop3A_469 = vector.broadcast %parallel_loop3A_468 : i32 to vector<16xi32>
        %parallel_loop3A_470 = arith.addi %parallel_loop3A_464, %parallel_loop3A_469 : vector<16xi32>
        %parallel_loop3A_471 = tpu.vector_load_idx %arg5[%parallel_loop3A_470] : memref<107811xf32, #tpu.memory_space<vmem>>[vector<16xi32>], vector<16xf32>,
        %parallel_loop3A_472 = arith.mulf %parallel_loop3A_471, %parallel_loop3A_458 : vector<16xf32>
        %parallel_loop3A_473 = arith.addf %parallel_loop3A_456, %parallel_loop3A_472 : vector<16xf32>
        %parallel_loop3A_474 = arith.addi %parallel_loop3A_377, %parallel_loop3A_338 : vector<16xi32>
        %parallel_loop3A_475 = arith.mulf %parallel_loop3A_390, %parallel_loop3A_335 : vector<16xf32>
        %parallel_loop3A_476 = tpu.vector_load_idx %arg5[%parallel_loop3A_474] : memref<107811xf32, #tpu.memory_space<vmem>>[vector<16xi32>], vector<16xf32>,
        %parallel_loop3A_477 = arith.mulf %parallel_loop3A_476, %parallel_loop3A_475 : vector<16xf32>
        %parallel_loop3A_478 = arith.addf %parallel_loop3A_461, %parallel_loop3A_477 : vector<16xf32>
        %parallel_loop3A_479 = arith.constant 35937 : i32
        %parallel_loop3A_480 = vector.broadcast %parallel_loop3A_479 : i32 to vector<16xi32>
        %parallel_loop3A_481 = arith.addi %parallel_loop3A_474, %parallel_loop3A_480 : vector<16xi32>
        %parallel_loop3A_482 = tpu.vector_load_idx %arg5[%parallel_loop3A_481] : memref<107811xf32, #tpu.memory_space<vmem>>[vector<16xi32>], vector<16xf32>,
        %parallel_loop3A_483 = arith.mulf %parallel_loop3A_482, %parallel_loop3A_475 : vector<16xf32>
        %parallel_loop3A_484 = arith.addf %parallel_loop3A_467, %parallel_loop3A_483 : vector<16xf32>
        %parallel_loop3A_485 = arith.constant 35937 : i32
        %parallel_loop3A_486 = vector.broadcast %parallel_loop3A_485 : i32 to vector<16xi32>
        %parallel_loop3A_487 = arith.addi %parallel_loop3A_481, %parallel_loop3A_486 : vector<16xi32>
        %parallel_loop3A_488 = tpu.vector_load_idx %arg5[%parallel_loop3A_487] : memref<107811xf32, #tpu.memory_space<vmem>>[vector<16xi32>], vector<16xf32>,
        %parallel_loop3A_489 = arith.mulf %parallel_loop3A_488, %parallel_loop3A_475 : vector<16xf32>
        %parallel_loop3A_490 = arith.addf %parallel_loop3A_473, %parallel_loop3A_489 : vector<16xf32>
        %parallel_loop3A_491 = arith.addi %parallel_loop3A_378, %parallel_loop3A_333 : vector<16xi32>
        %parallel_loop3A_492 = arith.mulf %parallel_loop3A_391, %parallel_loop3A_381 : vector<16xf32>
        %parallel_loop3A_493 = tpu.vector_load_idx %arg5[%parallel_loop3A_491] : memref<107811xf32, #tpu.memory_space<vmem>>[vector<16xi32>], vector<16xf32>,
        %parallel_loop3A_494 = arith.mulf %parallel_loop3A_493, %parallel_loop3A_492 : vector<16xf32>
        %parallel_loop3A_495 = arith.addf %parallel_loop3A_478, %parallel_loop3A_494 : vector<16xf32>
        %parallel_loop3A_496 = arith.constant 35937 : i32
        %parallel_loop3A_497 = vector.broadcast %parallel_loop3A_496 : i32 to vector<16xi32>
        %parallel_loop3A_498 = arith.addi %parallel_loop3A_491, %parallel_loop3A_497 : vector<16xi32>
        %parallel_loop3A_499 = tpu.vector_load_idx %arg5[%parallel_loop3A_498] : memref<107811xf32, #tpu.memory_space<vmem>>[vector<16xi32>], vector<16xf32>,
        %parallel_loop3A_500 = arith.mulf %parallel_loop3A_499, %parallel_loop3A_492 : vector<16xf32>
        %parallel_loop3A_501 = arith.addf %parallel_loop3A_484, %parallel_loop3A_500 : vector<16xf32>
        %parallel_loop3A_502 = arith.constant 35937 : i32
        %parallel_loop3A_503 = vector.broadcast %parallel_loop3A_502 : i32 to vector<16xi32>
        %parallel_loop3A_504 = arith.addi %parallel_loop3A_498, %parallel_loop3A_503 : vector<16xi32>
        %parallel_loop3A_505 = tpu.vector_load_idx %arg5[%parallel_loop3A_504] : memref<107811xf32, #tpu.memory_space<vmem>>[vector<16xi32>], vector<16xf32>,
        %parallel_loop3A_506 = arith.mulf %parallel_loop3A_505, %parallel_loop3A_492 : vector<16xf32>
        %parallel_loop3A_507 = arith.addf %parallel_loop3A_490, %parallel_loop3A_506 : vector<16xf32>
        %parallel_loop3A_508 = arith.addi %parallel_loop3A_378, %parallel_loop3A_338 : vector<16xi32>
        %parallel_loop3A_509 = arith.mulf %parallel_loop3A_391, %parallel_loop3A_335 : vector<16xf32>
        %parallel_loop3A_510 = tpu.vector_load_idx %arg5[%parallel_loop3A_508] : memref<107811xf32, #tpu.memory_space<vmem>>[vector<16xi32>], vector<16xf32>,
        %parallel_loop3A_511 = arith.mulf %parallel_loop3A_510, %parallel_loop3A_509 : vector<16xf32>
        %parallel_loop3A_512 = arith.addf %parallel_loop3A_495, %parallel_loop3A_511 : vector<16xf32>
        %parallel_loop3A_513 = arith.constant 35937 : i32
        %parallel_loop3A_514 = vector.broadcast %parallel_loop3A_513 : i32 to vector<16xi32>
        %parallel_loop3A_515 = arith.addi %parallel_loop3A_508, %parallel_loop3A_514 : vector<16xi32>
        %parallel_loop3A_516 = tpu.vector_load_idx %arg5[%parallel_loop3A_515] : memref<107811xf32, #tpu.memory_space<vmem>>[vector<16xi32>], vector<16xf32>,
        %parallel_loop3A_517 = arith.mulf %parallel_loop3A_516, %parallel_loop3A_509 : vector<16xf32>
        %parallel_loop3A_518 = arith.addf %parallel_loop3A_501, %parallel_loop3A_517 : vector<16xf32>
        %parallel_loop3A_519 = arith.constant 35937 : i32
        %parallel_loop3A_520 = vector.broadcast %parallel_loop3A_519 : i32 to vector<16xi32>
        %parallel_loop3A_521 = arith.addi %parallel_loop3A_515, %parallel_loop3A_520 : vector<16xi32>
        %parallel_loop3A_522 = tpu.vector_load_idx %arg5[%parallel_loop3A_521] : memref<107811xf32, #tpu.memory_space<vmem>>[vector<16xi32>], vector<16xf32>,
        %parallel_loop3A_523 = arith.mulf %parallel_loop3A_522, %parallel_loop3A_509 : vector<16xf32>
        %parallel_loop3A_524 = arith.addf %parallel_loop3A_507, %parallel_loop3A_523 : vector<16xf32>
        %parallel_loop3A_525 = arith.index_cast %parallel_loop3A_308 : i32 to index
        %parallel_loop3A_526 = arith.index_cast %parallel_loop3A_326 : i32 to index
        %parallel_loop3A_527 = tpu.vector_load %arg12[%parallel_loop3A_525, %parallel_loop3A_526] {strides = array<i32>} : memref<2x512xf32, #tpu.memory_space<vmem>>, vector<16xf32>,
        tpu.vector_store %arg12[%parallel_loop3A_525, %parallel_loop3A_526], %parallel_loop3A_512 {strides = array<i32>} : memref<2x512xf32, #tpu.memory_space<vmem>>, vector<16xf32>,
        %parallel_loop3A_528 = arith.index_cast %parallel_loop3A_308 : i32 to index
        %parallel_loop3A_529 = arith.index_cast %parallel_loop3A_326 : i32 to index
        %parallel_loop3A_530 = tpu.vector_load %arg13[%parallel_loop3A_528, %parallel_loop3A_529] {strides = array<i32>} : memref<2x512xf32, #tpu.memory_space<vmem>>, vector<16xf32>,
        tpu.vector_store %arg13[%parallel_loop3A_528, %parallel_loop3A_529], %parallel_loop3A_518 {strides = array<i32>} : memref<2x512xf32, #tpu.memory_space<vmem>>, vector<16xf32>,
        %parallel_loop3A_531 = arith.index_cast %parallel_loop3A_308 : i32 to index
        %parallel_loop3A_532 = arith.index_cast %parallel_loop3A_326 : i32 to index
        %parallel_loop3A_533 = tpu.vector_load %arg14[%parallel_loop3A_531, %parallel_loop3A_532] {strides = array<i32>} : memref<2x512xf32, #tpu.memory_space<vmem>>, vector<16xf32>,
        tpu.vector_store %arg14[%parallel_loop3A_531, %parallel_loop3A_532], %parallel_loop3A_524 {strides = array<i32>} : memref<2x512xf32, #tpu.memory_space<vmem>>, vector<16xf32>,
      } {sc.loop_unroll_factor = 2 : i64, sc.parallel_access}
      %mul3A_182 = arith.constant 2 : i32
      %mul3A_183 = arith.muli %add3A_147, %mul3A_182 : i32
      %add3A_184 = arith.addi %mul3A_32, %mul3A_183 : i32
      %dma_start3A_185 = arith.constant 0 : i32
      %dma_start3A_186 = arith.constant 0 : i32
      %dma_start3A_187 = tpu.memref_slice %arg4[%select_n3A, %dma_start3A_185, %add3A_184, %dma_start3A_186] : memref<8x3x512x512xf32, #tpu.memory_space<hbm>> -> memref<1x1x2x512xf32, #tpu.memory_space<hbm>>
      %dma_start3A_188 = tpu.memref_squeeze %dma_start3A_187 : memref<1x1x2x512xf32, #tpu.memory_space<hbm>> -> memref<2x512xf32, #tpu.memory_space<hbm>>
      %dma_start3A_189 = arith.constant 0 : i32
      %dma_start3A_190 = tpu.memref_slice %arg4[%select_n3A, %dma_start3A_185, %add3A_184, %dma_start3A_189] : memref<8x3x512x512xf32, #tpu.memory_space<hbm>> -> memref<1x1x2x512xf32, #tpu.memory_space<hbm>>
      %dma_start3A_191 = tpu.memref_squeeze %dma_start3A_190 : memref<1x1x2x512xf32, #tpu.memory_space<hbm>> -> memref<2x512xf32, #tpu.memory_space<hbm>>
      tpu.enqueue_dma source(%arg12 : memref<2x512xf32, #tpu.memory_space<vmem>>) target(%dma_start3A_191 : memref<2x512xf32, #tpu.memory_space<hbm>>) target_semaphore(%arg20 : memref<!tpu.dma_semaphore, #tpu.memory_space<semaphore_mem>>)
      %dma_start3A_192 = arith.constant 1 : i32
      %dma_start3A_193 = arith.constant 0 : i32
      %dma_start3A_194 = tpu.memref_slice %arg4[%select_n3A, %dma_start3A_192, %add3A_184, %dma_start3A_193] : memref<8x3x512x512xf32, #tpu.memory_space<hbm>> -> memref<1x1x2x512xf32, #tpu.memory_space<hbm>>
      %dma_start3A_195 = tpu.memref_squeeze %dma_start3A_194 : memref<1x1x2x512xf32, #tpu.memory_space<hbm>> -> memref<2x512xf32, #tpu.memory_space<hbm>>
      %dma_start3A_196 = arith.constant 0 : i32
      %dma_start3A_197 = tpu.memref_slice %arg4[%select_n3A, %dma_start3A_192, %add3A_184, %dma_start3A_196] : memref<8x3x512x512xf32, #tpu.memory_space<hbm>> -> memref<1x1x2x512xf32, #tpu.memory_space<hbm>>
      %dma_start3A_198 = tpu.memref_squeeze %dma_start3A_197 : memref<1x1x2x512xf32, #tpu.memory_space<hbm>> -> memref<2x512xf32, #tpu.memory_space<hbm>>
      tpu.enqueue_dma source(%arg13 : memref<2x512xf32, #tpu.memory_space<vmem>>) target(%dma_start3A_198 : memref<2x512xf32, #tpu.memory_space<hbm>>) target_semaphore(%arg20 : memref<!tpu.dma_semaphore, #tpu.memory_space<semaphore_mem>>)
      %dma_start3A_199 = arith.constant 2 : i32
      %dma_start3A_200 = arith.constant 0 : i32
      %dma_start3A_201 = tpu.memref_slice %arg4[%select_n3A, %dma_start3A_199, %add3A_184, %dma_start3A_200] : memref<8x3x512x512xf32, #tpu.memory_space<hbm>> -> memref<1x1x2x512xf32, #tpu.memory_space<hbm>>
      %dma_start3A_202 = tpu.memref_squeeze %dma_start3A_201 : memref<1x1x2x512xf32, #tpu.memory_space<hbm>> -> memref<2x512xf32, #tpu.memory_space<hbm>>
      %dma_start3A_203 = arith.constant 0 : i32
      %dma_start3A_204 = tpu.memref_slice %arg4[%select_n3A, %dma_start3A_199, %add3A_184, %dma_start3A_203] : memref<8x3x512x512xf32, #tpu.memory_space<hbm>> -> memref<1x1x2x512xf32, #tpu.memory_space<hbm>>
      %dma_start3A_205 = tpu.memref_squeeze %dma_start3A_204 : memref<1x1x2x512xf32, #tpu.memory_space<hbm>> -> memref<2x512xf32, #tpu.memory_space<hbm>>
      tpu.enqueue_dma source(%arg14 : memref<2x512xf32, #tpu.memory_space<vmem>>) target(%dma_start3A_205 : memref<2x512xf32, #tpu.memory_space<hbm>>) target_semaphore(%arg20 : memref<!tpu.dma_semaphore, #tpu.memory_space<semaphore_mem>>)
      %add3A_206 = arith.constant 2 : i32
      %add3A_207 = arith.addi %add3A_147, %add3A_206 : i32
      %lt3A_208 = arith.constant 64 : i32
      %lt3A_209 = arith.cmpi slt, %add3A_207, %lt3A_208 : i32
      %convert_element_type3A_210 = arith.extui %lt3A_209 : i1 to i32
      %cond3A_211 = arith.constant 0 : i32
      %cond3A_212 = arith.cmpi ne, %convert_element_type3A_210, %cond3A_211 : i32
      scf.if %cond3A_212 {
        %add3A_284 = arith.constant 2 : i32
        %add3A_285 = arith.addi %add3A_147, %add3A_284 : i32
        %mul3A_286 = arith.constant 2 : i32
        %mul3A_287 = arith.muli %add3A_285, %mul3A_286 : i32
        %add3A_288 = arith.addi %mul3A_32, %mul3A_287 : i32
        %dma_start3A_289 = arith.constant 0 : i32
        %dma_start3A_290 = arith.constant 0 : i32
        %dma_start3A_291 = tpu.memref_slice %arg3[%select_n3A, %dma_start3A_289, %add3A_288, %dma_start3A_290] : memref<8x3x512x512xf32, #tpu.memory_space<hbm>> -> memref<1x1x2x512xf32, #tpu.memory_space<hbm>>
        %dma_start3A_292 = tpu.memref_squeeze %dma_start3A_291 : memref<1x1x2x512xf32, #tpu.memory_space<hbm>> -> memref<2x512xf32, #tpu.memory_space<hbm>>
        %dma_start3A_293 = arith.constant 0 : i32
        %dma_start3A_294 = tpu.memref_slice %arg3[%select_n3A, %dma_start3A_289, %add3A_288, %dma_start3A_293] : memref<8x3x512x512xf32, #tpu.memory_space<hbm>> -> memref<1x1x2x512xf32, #tpu.memory_space<hbm>>
        %dma_start3A_295 = tpu.memref_squeeze %dma_start3A_294 : memref<1x1x2x512xf32, #tpu.memory_space<hbm>> -> memref<2x512xf32, #tpu.memory_space<hbm>>
        tpu.enqueue_dma source(%dma_start3A_295 : memref<2x512xf32, #tpu.memory_space<hbm>>) target(%arg6 : memref<2x512xf32, #tpu.memory_space<vmem>>) target_semaphore(%arg18 : memref<!tpu.dma_semaphore, #tpu.memory_space<semaphore_mem>>)
        %dma_start3A_296 = arith.constant 1 : i32
        %dma_start3A_297 = arith.constant 0 : i32
        %dma_start3A_298 = tpu.memref_slice %arg3[%select_n3A, %dma_start3A_296, %add3A_288, %dma_start3A_297] : memref<8x3x512x512xf32, #tpu.memory_space<hbm>> -> memref<1x1x2x512xf32, #tpu.memory_space<hbm>>
        %dma_start3A_299 = tpu.memref_squeeze %dma_start3A_298 : memref<1x1x2x512xf32, #tpu.memory_space<hbm>> -> memref<2x512xf32, #tpu.memory_space<hbm>>
        %dma_start3A_300 = arith.constant 0 : i32
        %dma_start3A_301 = tpu.memref_slice %arg3[%select_n3A, %dma_start3A_296, %add3A_288, %dma_start3A_300] : memref<8x3x512x512xf32, #tpu.memory_space<hbm>> -> memref<1x1x2x512xf32, #tpu.memory_space<hbm>>
        %dma_start3A_302 = tpu.memref_squeeze %dma_start3A_301 : memref<1x1x2x512xf32, #tpu.memory_space<hbm>> -> memref<2x512xf32, #tpu.memory_space<hbm>>
        tpu.enqueue_dma source(%dma_start3A_302 : memref<2x512xf32, #tpu.memory_space<hbm>>) target(%arg7 : memref<2x512xf32, #tpu.memory_space<vmem>>) target_semaphore(%arg18 : memref<!tpu.dma_semaphore, #tpu.memory_space<semaphore_mem>>)
        %dma_start3A_303 = arith.constant 2 : i32
        %dma_start3A_304 = arith.constant 0 : i32
        %dma_start3A_305 = tpu.memref_slice %arg3[%select_n3A, %dma_start3A_303, %add3A_288, %dma_start3A_304] : memref<8x3x512x512xf32, #tpu.memory_space<hbm>> -> memref<1x1x2x512xf32, #tpu.memory_space<hbm>>
        %dma_start3A_306 = tpu.memref_squeeze %dma_start3A_305 : memref<1x1x2x512xf32, #tpu.memory_space<hbm>> -> memref<2x512xf32, #tpu.memory_space<hbm>>
        %dma_start3A_307 = arith.constant 0 : i32
        %dma_start3A_308 = tpu.memref_slice %arg3[%select_n3A, %dma_start3A_303, %add3A_288, %dma_start3A_307] : memref<8x3x512x512xf32, #tpu.memory_space<hbm>> -> memref<1x1x2x512xf32, #tpu.memory_space<hbm>>
        %dma_start3A_309 = tpu.memref_squeeze %dma_start3A_308 : memref<1x1x2x512xf32, #tpu.memory_space<hbm>> -> memref<2x512xf32, #tpu.memory_space<hbm>>
        tpu.enqueue_dma source(%dma_start3A_309 : memref<2x512xf32, #tpu.memory_space<hbm>>) target(%arg8 : memref<2x512xf32, #tpu.memory_space<vmem>>) target_semaphore(%arg18 : memref<!tpu.dma_semaphore, #tpu.memory_space<semaphore_mem>>)
      } else {
      }
      %add3A_213 = arith.constant 1 : i32
      %add3A_214 = arith.addi %add3A_145, %add3A_213 : i32
      %dma_wait3A_215 = arith.constant 0 : i32
      %dma_wait3A_216 = arith.constant 0 : i32
      %dma_wait3A_217 = arith.constant 0 : i32
      %dma_wait3A_218 = arith.constant 0 : i32
      %dma_wait3A_219 = tpu.memref_slice %arg3[%dma_wait3A_215, %dma_wait3A_216, %dma_wait3A_217, %dma_wait3A_218] : memref<8x3x512x512xf32, #tpu.memory_space<hbm>> -> memref<1x1x2x512xf32, #tpu.memory_space<hbm>>
      %dma_wait3A_220 = tpu.memref_squeeze %dma_wait3A_219 : memref<1x1x2x512xf32, #tpu.memory_space<hbm>> -> memref<2x512xf32, #tpu.memory_space<hbm>>
      %dma_wait3A_221 = arith.constant 0 : i32
      %dma_wait3A_222 = arith.constant 0 : i32
      %dma_wait3A_223 = tpu.memref_slice %arg3[%dma_wait3A_215, %dma_wait3A_216, %dma_wait3A_221, %dma_wait3A_222] : memref<8x3x512x512xf32, #tpu.memory_space<hbm>> -> memref<1x1x2x512xf32, #tpu.memory_space<hbm>>
      %dma_wait3A_224 = tpu.memref_squeeze %dma_wait3A_223 : memref<1x1x2x512xf32, #tpu.memory_space<hbm>> -> memref<2x512xf32, #tpu.memory_space<hbm>>
      tpu.wait_dma2 semaphore(%arg19 : memref<!tpu.dma_semaphore, #tpu.memory_space<semaphore_mem>>) src(%dma_wait3A_224 : memref<2x512xf32, #tpu.memory_space<hbm>>) dst(%arg9 : memref<2x512xf32, #tpu.memory_space<vmem>>)
      %dma_wait3A_225 = arith.constant 0 : i32
      %dma_wait3A_226 = arith.constant 0 : i32
      %dma_wait3A_227 = arith.constant 0 : i32
      %dma_wait3A_228 = arith.constant 0 : i32
      %dma_wait3A_229 = tpu.memref_slice %arg3[%dma_wait3A_225, %dma_wait3A_226, %dma_wait3A_227, %dma_wait3A_228] : memref<8x3x512x512xf32, #tpu.memory_space<hbm>> -> memref<1x1x2x512xf32, #tpu.memory_space<hbm>>
      %dma_wait3A_230 = tpu.memref_squeeze %dma_wait3A_229 : memref<1x1x2x512xf32, #tpu.memory_space<hbm>> -> memref<2x512xf32, #tpu.memory_space<hbm>>
      %dma_wait3A_231 = arith.constant 0 : i32
      %dma_wait3A_232 = arith.constant 0 : i32
      %dma_wait3A_233 = tpu.memref_slice %arg3[%dma_wait3A_225, %dma_wait3A_226, %dma_wait3A_231, %dma_wait3A_232] : memref<8x3x512x512xf32, #tpu.memory_space<hbm>> -> memref<1x1x2x512xf32, #tpu.memory_space<hbm>>
      %dma_wait3A_234 = tpu.memref_squeeze %dma_wait3A_233 : memref<1x1x2x512xf32, #tpu.memory_space<hbm>> -> memref<2x512xf32, #tpu.memory_space<hbm>>
      tpu.wait_dma2 semaphore(%arg19 : memref<!tpu.dma_semaphore, #tpu.memory_space<semaphore_mem>>) src(%dma_wait3A_234 : memref<2x512xf32, #tpu.memory_space<hbm>>) dst(%arg10 : memref<2x512xf32, #tpu.memory_space<vmem>>)
      %dma_wait3A_235 = arith.constant 0 : i32
      %dma_wait3A_236 = arith.constant 0 : i32
      %dma_wait3A_237 = arith.constant 0 : i32
      %dma_wait3A_238 = arith.constant 0 : i32
      %dma_wait3A_239 = tpu.memref_slice %arg3[%dma_wait3A_235, %dma_wait3A_236, %dma_wait3A_237, %dma_wait3A_238] : memref<8x3x512x512xf32, #tpu.memory_space<hbm>> -> memref<1x1x2x512xf32, #tpu.memory_space<hbm>>
      %dma_wait3A_240 = tpu.memref_squeeze %dma_wait3A_239 : memref<1x1x2x512xf32, #tpu.memory_space<hbm>> -> memref<2x512xf32, #tpu.memory_space<hbm>>
      %dma_wait3A_241 = arith.constant 0 : i32
      %dma_wait3A_242 = arith.constant 0 : i32
      %dma_wait3A_243 = tpu.memref_slice %arg3[%dma_wait3A_235, %dma_wait3A_236, %dma_wait3A_241, %dma_wait3A_242] : memref<8x3x512x512xf32, #tpu.memory_space<hbm>> -> memref<1x1x2x512xf32, #tpu.memory_space<hbm>>
      %dma_wait3A_244 = tpu.memref_squeeze %dma_wait3A_243 : memref<1x1x2x512xf32, #tpu.memory_space<hbm>> -> memref<2x512xf32, #tpu.memory_space<hbm>>
      tpu.wait_dma2 semaphore(%arg19 : memref<!tpu.dma_semaphore, #tpu.memory_space<semaphore_mem>>) src(%dma_wait3A_244 : memref<2x512xf32, #tpu.memory_space<hbm>>) dst(%arg11 : memref<2x512xf32, #tpu.memory_space<vmem>>)
      %ge3A_245 = arith.constant 2 : i32
      %ge3A_246 = arith.cmpi sge, %add3A_214, %ge3A_245 : i32
      %convert_element_type3A_247 = arith.extui %ge3A_246 : i1 to i32
      %cond3A_248 = arith.constant 0 : i32
      %cond3A_249 = arith.cmpi ne, %convert_element_type3A_247, %cond3A_248 : i32
      scf.if %cond3A_249 {
        %dma_wait3A_284 = arith.constant 0 : i32
        %dma_wait3A_285 = arith.constant 0 : i32
        %dma_wait3A_286 = arith.constant 0 : i32
        %dma_wait3A_287 = arith.constant 0 : i32
        %dma_wait3A_288 = tpu.memref_slice %arg4[%dma_wait3A_284, %dma_wait3A_285, %dma_wait3A_286, %dma_wait3A_287] : memref<8x3x512x512xf32, #tpu.memory_space<hbm>> -> memref<1x1x2x512xf32, #tpu.memory_space<hbm>>
        %dma_wait3A_289 = tpu.memref_squeeze %dma_wait3A_288 : memref<1x1x2x512xf32, #tpu.memory_space<hbm>> -> memref<2x512xf32, #tpu.memory_space<hbm>>
        %dma_wait3A_290 = arith.constant 0 : i32
        %dma_wait3A_291 = arith.constant 0 : i32
        %dma_wait3A_292 = tpu.memref_slice %arg4[%dma_wait3A_284, %dma_wait3A_285, %dma_wait3A_290, %dma_wait3A_291] : memref<8x3x512x512xf32, #tpu.memory_space<hbm>> -> memref<1x1x2x512xf32, #tpu.memory_space<hbm>>
        %dma_wait3A_293 = tpu.memref_squeeze %dma_wait3A_292 : memref<1x1x2x512xf32, #tpu.memory_space<hbm>> -> memref<2x512xf32, #tpu.memory_space<hbm>>
        tpu.wait_dma2 semaphore(%arg21 : memref<!tpu.dma_semaphore, #tpu.memory_space<semaphore_mem>>) src(%arg15 : memref<2x512xf32, #tpu.memory_space<vmem>>) dst(%dma_wait3A_293 : memref<2x512xf32, #tpu.memory_space<hbm>>)
        %dma_wait3A_294 = arith.constant 0 : i32
        %dma_wait3A_295 = arith.constant 0 : i32
        %dma_wait3A_296 = arith.constant 0 : i32
        %dma_wait3A_297 = arith.constant 0 : i32
        %dma_wait3A_298 = tpu.memref_slice %arg4[%dma_wait3A_294, %dma_wait3A_295, %dma_wait3A_296, %dma_wait3A_297] : memref<8x3x512x512xf32, #tpu.memory_space<hbm>> -> memref<1x1x2x512xf32, #tpu.memory_space<hbm>>
        %dma_wait3A_299 = tpu.memref_squeeze %dma_wait3A_298 : memref<1x1x2x512xf32, #tpu.memory_space<hbm>> -> memref<2x512xf32, #tpu.memory_space<hbm>>
        %dma_wait3A_300 = arith.constant 0 : i32
        %dma_wait3A_301 = arith.constant 0 : i32
        %dma_wait3A_302 = tpu.memref_slice %arg4[%dma_wait3A_294, %dma_wait3A_295, %dma_wait3A_300, %dma_wait3A_301] : memref<8x3x512x512xf32, #tpu.memory_space<hbm>> -> memref<1x1x2x512xf32, #tpu.memory_space<hbm>>
        %dma_wait3A_303 = tpu.memref_squeeze %dma_wait3A_302 : memref<1x1x2x512xf32, #tpu.memory_space<hbm>> -> memref<2x512xf32, #tpu.memory_space<hbm>>
        tpu.wait_dma2 semaphore(%arg21 : memref<!tpu.dma_semaphore, #tpu.memory_space<semaphore_mem>>) src(%arg16 : memref<2x512xf32, #tpu.memory_space<vmem>>) dst(%dma_wait3A_303 : memref<2x512xf32, #tpu.memory_space<hbm>>)
        %dma_wait3A_304 = arith.constant 0 : i32
        %dma_wait3A_305 = arith.constant 0 : i32
        %dma_wait3A_306 = arith.constant 0 : i32
        %dma_wait3A_307 = arith.constant 0 : i32
        %dma_wait3A_308 = tpu.memref_slice %arg4[%dma_wait3A_304, %dma_wait3A_305, %dma_wait3A_306, %dma_wait3A_307] : memref<8x3x512x512xf32, #tpu.memory_space<hbm>> -> memref<1x1x2x512xf32, #tpu.memory_space<hbm>>
        %dma_wait3A_309 = tpu.memref_squeeze %dma_wait3A_308 : memref<1x1x2x512xf32, #tpu.memory_space<hbm>> -> memref<2x512xf32, #tpu.memory_space<hbm>>
        %dma_wait3A_310 = arith.constant 0 : i32
        %dma_wait3A_311 = arith.constant 0 : i32
        %dma_wait3A_312 = tpu.memref_slice %arg4[%dma_wait3A_304, %dma_wait3A_305, %dma_wait3A_310, %dma_wait3A_311] : memref<8x3x512x512xf32, #tpu.memory_space<hbm>> -> memref<1x1x2x512xf32, #tpu.memory_space<hbm>>
        %dma_wait3A_313 = tpu.memref_squeeze %dma_wait3A_312 : memref<1x1x2x512xf32, #tpu.memory_space<hbm>> -> memref<2x512xf32, #tpu.memory_space<hbm>>
        tpu.wait_dma2 semaphore(%arg21 : memref<!tpu.dma_semaphore, #tpu.memory_space<semaphore_mem>>) src(%arg17 : memref<2x512xf32, #tpu.memory_space<vmem>>) dst(%dma_wait3A_313 : memref<2x512xf32, #tpu.memory_space<hbm>>)
      } else {
      }
      %parallel_loop3A_250 = arith.constant 0 : i32
      %parallel_loop3A_251 = arith.constant 64 : i32
      %parallel_loop3A_252 = arith.constant 1 : i32
      scf.for %parallel_loop3A_284 = %parallel_loop3A_250 to %parallel_loop3A_251 step %parallel_loop3A_252  : i32 {
        %parallel_loop3A_285 = arith.constant 32 : i32
        %parallel_loop3A_286 = arith.divsi %parallel_loop3A_284, %parallel_loop3A_285 : i32
        %parallel_loop3A_287 = arith.constant 0 : i32
        %parallel_loop3A_288 = arith.cmpi sgt, %parallel_loop3A_284, %parallel_loop3A_287 : i32
        %parallel_loop3A_289 = arith.extui %parallel_loop3A_288 : i1 to i32
        %parallel_loop3A_290 = arith.constant 0 : i32
        %parallel_loop3A_291 = arith.cmpi slt, %parallel_loop3A_284, %parallel_loop3A_290 : i32
        %parallel_loop3A_292 = arith.extui %parallel_loop3A_291 : i1 to i32
        %parallel_loop3A_293 = arith.subi %parallel_loop3A_289, %parallel_loop3A_292 : i32
        %parallel_loop3A_294 = arith.constant 0 : i32
        %parallel_loop3A_295 = arith.cmpi sgt, %parallel_loop3A_285, %parallel_loop3A_294 : i32
        %parallel_loop3A_296 = arith.extui %parallel_loop3A_295 : i1 to i32
        %parallel_loop3A_297 = arith.constant 0 : i32
        %parallel_loop3A_298 = arith.cmpi slt, %parallel_loop3A_285, %parallel_loop3A_297 : i32
        %parallel_loop3A_299 = arith.extui %parallel_loop3A_298 : i1 to i32
        %parallel_loop3A_300 = arith.subi %parallel_loop3A_296, %parallel_loop3A_299 : i32
        %parallel_loop3A_301 = arith.cmpi ne, %parallel_loop3A_293, %parallel_loop3A_300 : i32
        %parallel_loop3A_302 = arith.remsi %parallel_loop3A_284, %parallel_loop3A_285 : i32
        %parallel_loop3A_303 = arith.constant 0 : i32
        %parallel_loop3A_304 = arith.cmpi ne, %parallel_loop3A_302, %parallel_loop3A_303 : i32
        %parallel_loop3A_305 = arith.andi %parallel_loop3A_301, %parallel_loop3A_304 : i1
        %parallel_loop3A_306 = arith.constant 1 : i32
        %parallel_loop3A_307 = arith.subi %parallel_loop3A_286, %parallel_loop3A_306 : i32
        %parallel_loop3A_308 = arith.select %parallel_loop3A_305, %parallel_loop3A_307, %parallel_loop3A_286 : i32
        %parallel_loop3A_309 = arith.constant 32 : i32
        %parallel_loop3A_310 = arith.constant 0 : i32
        %parallel_loop3A_311 = arith.cmpi eq, %parallel_loop3A_309, %parallel_loop3A_310 : i32
        %parallel_loop3A_312 = arith.constant 1 : i32
        %parallel_loop3A_313 = arith.select %parallel_loop3A_311, %parallel_loop3A_312, %parallel_loop3A_309 : i32
        %parallel_loop3A_314 = arith.remsi %parallel_loop3A_284, %parallel_loop3A_313 : i32
        %parallel_loop3A_315 = arith.constant 0 : i32
        %parallel_loop3A_316 = arith.cmpi ne, %parallel_loop3A_314, %parallel_loop3A_315 : i32
        %parallel_loop3A_317 = arith.constant 0 : i32
        %parallel_loop3A_318 = arith.cmpi slt, %parallel_loop3A_314, %parallel_loop3A_317 : i32
        %parallel_loop3A_319 = arith.constant 0 : i32
        %parallel_loop3A_320 = arith.cmpi slt, %parallel_loop3A_313, %parallel_loop3A_319 : i32
        %parallel_loop3A_321 = arith.xori %parallel_loop3A_318, %parallel_loop3A_320 : i1
        %parallel_loop3A_322 = arith.andi %parallel_loop3A_321, %parallel_loop3A_316 : i1
        %parallel_loop3A_323 = arith.addi %parallel_loop3A_314, %parallel_loop3A_313 : i32
        %parallel_loop3A_324 = arith.select %parallel_loop3A_322, %parallel_loop3A_323, %parallel_loop3A_314 : i32
        %parallel_loop3A_325 = arith.constant 16 : i32
        %parallel_loop3A_326 = arith.muli %parallel_loop3A_324, %parallel_loop3A_325 : i32
        %parallel_loop3A_327 = arith.index_cast %parallel_loop3A_308 : i32 to index
        %parallel_loop3A_328 = arith.index_cast %parallel_loop3A_326 : i32 to index
        %parallel_loop3A_329 = tpu.vector_load %arg9[%parallel_loop3A_327, %parallel_loop3A_328] {strides = array<i32>} : memref<2x512xf32, #tpu.memory_space<vmem>>, vector<16xf32>,
        %parallel_loop3A_330 = arith.constant 3.200000e+01 : f32
        %parallel_loop3A_331 = vector.broadcast %parallel_loop3A_330 : f32 to vector<16xf32>
        %parallel_loop3A_332 = arith.mulf %parallel_loop3A_329, %parallel_loop3A_331 : vector<16xf32>
        %parallel_loop3A_333 = arith.fptosi %parallel_loop3A_332 : vector<16xf32> to vector<16xi32>
        %parallel_loop3A_334 = arith.sitofp %parallel_loop3A_333 : vector<16xi32> to vector<16xf32>
        %parallel_loop3A_335 = arith.subf %parallel_loop3A_332, %parallel_loop3A_334 : vector<16xf32>
        %parallel_loop3A_336 = arith.constant 1 : i32
        %parallel_loop3A_337 = vector.broadcast %parallel_loop3A_336 : i32 to vector<16xi32>
        %parallel_loop3A_338 = arith.addi %parallel_loop3A_333, %parallel_loop3A_337 : vector<16xi32>
        %parallel_loop3A_339 = arith.index_cast %parallel_loop3A_308 : i32 to index
        %parallel_loop3A_340 = arith.index_cast %parallel_loop3A_326 : i32 to index
        %parallel_loop3A_341 = tpu.vector_load %arg10[%parallel_loop3A_339, %parallel_loop3A_340] {strides = array<i32>} : memref<2x512xf32, #tpu.memory_space<vmem>>, vector<16xf32>,
        %parallel_loop3A_342 = arith.constant 3.200000e+01 : f32
        %parallel_loop3A_343 = vector.broadcast %parallel_loop3A_342 : f32 to vector<16xf32>
        %parallel_loop3A_344 = arith.mulf %parallel_loop3A_341, %parallel_loop3A_343 : vector<16xf32>
        %parallel_loop3A_345 = arith.fptosi %parallel_loop3A_344 : vector<16xf32> to vector<16xi32>
        %parallel_loop3A_346 = arith.sitofp %parallel_loop3A_345 : vector<16xi32> to vector<16xf32>
        %parallel_loop3A_347 = arith.subf %parallel_loop3A_344, %parallel_loop3A_346 : vector<16xf32>
        %parallel_loop3A_348 = arith.constant 1 : i32
        %parallel_loop3A_349 = vector.broadcast %parallel_loop3A_348 : i32 to vector<16xi32>
        %parallel_loop3A_350 = arith.addi %parallel_loop3A_345, %parallel_loop3A_349 : vector<16xi32>
        %parallel_loop3A_351 = arith.index_cast %parallel_loop3A_308 : i32 to index
        %parallel_loop3A_352 = arith.index_cast %parallel_loop3A_326 : i32 to index
        %parallel_loop3A_353 = tpu.vector_load %arg11[%parallel_loop3A_351, %parallel_loop3A_352] {strides = array<i32>} : memref<2x512xf32, #tpu.memory_space<vmem>>, vector<16xf32>,
        %parallel_loop3A_354 = arith.constant 3.200000e+01 : f32
        %parallel_loop3A_355 = vector.broadcast %parallel_loop3A_354 : f32 to vector<16xf32>
        %parallel_loop3A_356 = arith.mulf %parallel_loop3A_353, %parallel_loop3A_355 : vector<16xf32>
        %parallel_loop3A_357 = arith.fptosi %parallel_loop3A_356 : vector<16xf32> to vector<16xi32>
        %parallel_loop3A_358 = arith.sitofp %parallel_loop3A_357 : vector<16xi32> to vector<16xf32>
        %parallel_loop3A_359 = arith.subf %parallel_loop3A_356, %parallel_loop3A_358 : vector<16xf32>
        %parallel_loop3A_360 = arith.constant 1 : i32
        %parallel_loop3A_361 = vector.broadcast %parallel_loop3A_360 : i32 to vector<16xi32>
        %parallel_loop3A_362 = arith.addi %parallel_loop3A_357, %parallel_loop3A_361 : vector<16xi32>
        %parallel_loop3A_363 = arith.constant 1089 : i32
        %parallel_loop3A_364 = vector.broadcast %parallel_loop3A_363 : i32 to vector<16xi32>
        %parallel_loop3A_365 = arith.muli %parallel_loop3A_357, %parallel_loop3A_364 : vector<16xi32>
        %parallel_loop3A_366 = arith.constant 1089 : i32
        %parallel_loop3A_367 = vector.broadcast %parallel_loop3A_366 : i32 to vector<16xi32>
        %parallel_loop3A_368 = arith.muli %parallel_loop3A_362, %parallel_loop3A_367 : vector<16xi32>
        %parallel_loop3A_369 = arith.constant 33 : i32
        %parallel_loop3A_370 = vector.broadcast %parallel_loop3A_369 : i32 to vector<16xi32>
        %parallel_loop3A_371 = arith.muli %parallel_loop3A_345, %parallel_loop3A_370 : vector<16xi32>
        %parallel_loop3A_372 = arith.constant 33 : i32
        %parallel_loop3A_373 = vector.broadcast %parallel_loop3A_372 : i32 to vector<16xi32>
        %parallel_loop3A_374 = arith.muli %parallel_loop3A_350, %parallel_loop3A_373 : vector<16xi32>
        %parallel_loop3A_375 = arith.addi %parallel_loop3A_365, %parallel_loop3A_371 : vector<16xi32>
        %parallel_loop3A_376 = arith.addi %parallel_loop3A_365, %parallel_loop3A_374 : vector<16xi32>
        %parallel_loop3A_377 = arith.addi %parallel_loop3A_368, %parallel_loop3A_371 : vector<16xi32>
        %parallel_loop3A_378 = arith.addi %parallel_loop3A_368, %parallel_loop3A_374 : vector<16xi32>
        %parallel_loop3A_379 = arith.constant 1.000000e+00 : f32
        %parallel_loop3A_380 = vector.broadcast %parallel_loop3A_379 : f32 to vector<16xf32>
        %parallel_loop3A_381 = arith.subf %parallel_loop3A_380, %parallel_loop3A_335 : vector<16xf32>
        %parallel_loop3A_382 = arith.constant 1.000000e+00 : f32
        %parallel_loop3A_383 = vector.broadcast %parallel_loop3A_382 : f32 to vector<16xf32>
        %parallel_loop3A_384 = arith.subf %parallel_loop3A_383, %parallel_loop3A_347 : vector<16xf32>
        %parallel_loop3A_385 = arith.constant 1.000000e+00 : f32
        %parallel_loop3A_386 = vector.broadcast %parallel_loop3A_385 : f32 to vector<16xf32>
        %parallel_loop3A_387 = arith.subf %parallel_loop3A_386, %parallel_loop3A_359 : vector<16xf32>
        %parallel_loop3A_388 = arith.mulf %parallel_loop3A_387, %parallel_loop3A_384 : vector<16xf32>
        %parallel_loop3A_389 = arith.mulf %parallel_loop3A_387, %parallel_loop3A_347 : vector<16xf32>
        %parallel_loop3A_390 = arith.mulf %parallel_loop3A_359, %parallel_loop3A_384 : vector<16xf32>
        %parallel_loop3A_391 = arith.mulf %parallel_loop3A_359, %parallel_loop3A_347 : vector<16xf32>
        %parallel_loop3A_392 = arith.addi %parallel_loop3A_375, %parallel_loop3A_333 : vector<16xi32>
        %parallel_loop3A_393 = arith.mulf %parallel_loop3A_388, %parallel_loop3A_381 : vector<16xf32>
        %parallel_loop3A_394 = tpu.vector_load_idx %arg5[%parallel_loop3A_392] : memref<107811xf32, #tpu.memory_space<vmem>>[vector<16xi32>], vector<16xf32>,
        %parallel_loop3A_395 = arith.mulf %parallel_loop3A_394, %parallel_loop3A_393 : vector<16xf32>
        %parallel_loop3A_396 = arith.constant 35937 : i32
        %parallel_loop3A_397 = vector.broadcast %parallel_loop3A_396 : i32 to vector<16xi32>
        %parallel_loop3A_398 = arith.addi %parallel_loop3A_392, %parallel_loop3A_397 : vector<16xi32>
        %parallel_loop3A_399 = tpu.vector_load_idx %arg5[%parallel_loop3A_398] : memref<107811xf32, #tpu.memory_space<vmem>>[vector<16xi32>], vector<16xf32>,
        %parallel_loop3A_400 = arith.mulf %parallel_loop3A_399, %parallel_loop3A_393 : vector<16xf32>
        %parallel_loop3A_401 = arith.constant 35937 : i32
        %parallel_loop3A_402 = vector.broadcast %parallel_loop3A_401 : i32 to vector<16xi32>
        %parallel_loop3A_403 = arith.addi %parallel_loop3A_398, %parallel_loop3A_402 : vector<16xi32>
        %parallel_loop3A_404 = tpu.vector_load_idx %arg5[%parallel_loop3A_403] : memref<107811xf32, #tpu.memory_space<vmem>>[vector<16xi32>], vector<16xf32>,
        %parallel_loop3A_405 = arith.mulf %parallel_loop3A_404, %parallel_loop3A_393 : vector<16xf32>
        %parallel_loop3A_406 = arith.addi %parallel_loop3A_375, %parallel_loop3A_338 : vector<16xi32>
        %parallel_loop3A_407 = arith.mulf %parallel_loop3A_388, %parallel_loop3A_335 : vector<16xf32>
        %parallel_loop3A_408 = tpu.vector_load_idx %arg5[%parallel_loop3A_406] : memref<107811xf32, #tpu.memory_space<vmem>>[vector<16xi32>], vector<16xf32>,
        %parallel_loop3A_409 = arith.mulf %parallel_loop3A_408, %parallel_loop3A_407 : vector<16xf32>
        %parallel_loop3A_410 = arith.addf %parallel_loop3A_395, %parallel_loop3A_409 : vector<16xf32>
        %parallel_loop3A_411 = arith.constant 35937 : i32
        %parallel_loop3A_412 = vector.broadcast %parallel_loop3A_411 : i32 to vector<16xi32>
        %parallel_loop3A_413 = arith.addi %parallel_loop3A_406, %parallel_loop3A_412 : vector<16xi32>
        %parallel_loop3A_414 = tpu.vector_load_idx %arg5[%parallel_loop3A_413] : memref<107811xf32, #tpu.memory_space<vmem>>[vector<16xi32>], vector<16xf32>,
        %parallel_loop3A_415 = arith.mulf %parallel_loop3A_414, %parallel_loop3A_407 : vector<16xf32>
        %parallel_loop3A_416 = arith.addf %parallel_loop3A_400, %parallel_loop3A_415 : vector<16xf32>
        %parallel_loop3A_417 = arith.constant 35937 : i32
        %parallel_loop3A_418 = vector.broadcast %parallel_loop3A_417 : i32 to vector<16xi32>
        %parallel_loop3A_419 = arith.addi %parallel_loop3A_413, %parallel_loop3A_418 : vector<16xi32>
        %parallel_loop3A_420 = tpu.vector_load_idx %arg5[%parallel_loop3A_419] : memref<107811xf32, #tpu.memory_space<vmem>>[vector<16xi32>], vector<16xf32>,
        %parallel_loop3A_421 = arith.mulf %parallel_loop3A_420, %parallel_loop3A_407 : vector<16xf32>
        %parallel_loop3A_422 = arith.addf %parallel_loop3A_405, %parallel_loop3A_421 : vector<16xf32>
        %parallel_loop3A_423 = arith.addi %parallel_loop3A_376, %parallel_loop3A_333 : vector<16xi32>
        %parallel_loop3A_424 = arith.mulf %parallel_loop3A_389, %parallel_loop3A_381 : vector<16xf32>
        %parallel_loop3A_425 = tpu.vector_load_idx %arg5[%parallel_loop3A_423] : memref<107811xf32, #tpu.memory_space<vmem>>[vector<16xi32>], vector<16xf32>,
        %parallel_loop3A_426 = arith.mulf %parallel_loop3A_425, %parallel_loop3A_424 : vector<16xf32>
        %parallel_loop3A_427 = arith.addf %parallel_loop3A_410, %parallel_loop3A_426 : vector<16xf32>
        %parallel_loop3A_428 = arith.constant 35937 : i32
        %parallel_loop3A_429 = vector.broadcast %parallel_loop3A_428 : i32 to vector<16xi32>
        %parallel_loop3A_430 = arith.addi %parallel_loop3A_423, %parallel_loop3A_429 : vector<16xi32>
        %parallel_loop3A_431 = tpu.vector_load_idx %arg5[%parallel_loop3A_430] : memref<107811xf32, #tpu.memory_space<vmem>>[vector<16xi32>], vector<16xf32>,
        %parallel_loop3A_432 = arith.mulf %parallel_loop3A_431, %parallel_loop3A_424 : vector<16xf32>
        %parallel_loop3A_433 = arith.addf %parallel_loop3A_416, %parallel_loop3A_432 : vector<16xf32>
        %parallel_loop3A_434 = arith.constant 35937 : i32
        %parallel_loop3A_435 = vector.broadcast %parallel_loop3A_434 : i32 to vector<16xi32>
        %parallel_loop3A_436 = arith.addi %parallel_loop3A_430, %parallel_loop3A_435 : vector<16xi32>
        %parallel_loop3A_437 = tpu.vector_load_idx %arg5[%parallel_loop3A_436] : memref<107811xf32, #tpu.memory_space<vmem>>[vector<16xi32>], vector<16xf32>,
        %parallel_loop3A_438 = arith.mulf %parallel_loop3A_437, %parallel_loop3A_424 : vector<16xf32>
        %parallel_loop3A_439 = arith.addf %parallel_loop3A_422, %parallel_loop3A_438 : vector<16xf32>
        %parallel_loop3A_440 = arith.addi %parallel_loop3A_376, %parallel_loop3A_338 : vector<16xi32>
        %parallel_loop3A_441 = arith.mulf %parallel_loop3A_389, %parallel_loop3A_335 : vector<16xf32>
        %parallel_loop3A_442 = tpu.vector_load_idx %arg5[%parallel_loop3A_440] : memref<107811xf32, #tpu.memory_space<vmem>>[vector<16xi32>], vector<16xf32>,
        %parallel_loop3A_443 = arith.mulf %parallel_loop3A_442, %parallel_loop3A_441 : vector<16xf32>
        %parallel_loop3A_444 = arith.addf %parallel_loop3A_427, %parallel_loop3A_443 : vector<16xf32>
        %parallel_loop3A_445 = arith.constant 35937 : i32
        %parallel_loop3A_446 = vector.broadcast %parallel_loop3A_445 : i32 to vector<16xi32>
        %parallel_loop3A_447 = arith.addi %parallel_loop3A_440, %parallel_loop3A_446 : vector<16xi32>
        %parallel_loop3A_448 = tpu.vector_load_idx %arg5[%parallel_loop3A_447] : memref<107811xf32, #tpu.memory_space<vmem>>[vector<16xi32>], vector<16xf32>,
        %parallel_loop3A_449 = arith.mulf %parallel_loop3A_448, %parallel_loop3A_441 : vector<16xf32>
        %parallel_loop3A_450 = arith.addf %parallel_loop3A_433, %parallel_loop3A_449 : vector<16xf32>
        %parallel_loop3A_451 = arith.constant 35937 : i32
        %parallel_loop3A_452 = vector.broadcast %parallel_loop3A_451 : i32 to vector<16xi32>
        %parallel_loop3A_453 = arith.addi %parallel_loop3A_447, %parallel_loop3A_452 : vector<16xi32>
        %parallel_loop3A_454 = tpu.vector_load_idx %arg5[%parallel_loop3A_453] : memref<107811xf32, #tpu.memory_space<vmem>>[vector<16xi32>], vector<16xf32>,
        %parallel_loop3A_455 = arith.mulf %parallel_loop3A_454, %parallel_loop3A_441 : vector<16xf32>
        %parallel_loop3A_456 = arith.addf %parallel_loop3A_439, %parallel_loop3A_455 : vector<16xf32>
        %parallel_loop3A_457 = arith.addi %parallel_loop3A_377, %parallel_loop3A_333 : vector<16xi32>
        %parallel_loop3A_458 = arith.mulf %parallel_loop3A_390, %parallel_loop3A_381 : vector<16xf32>
        %parallel_loop3A_459 = tpu.vector_load_idx %arg5[%parallel_loop3A_457] : memref<107811xf32, #tpu.memory_space<vmem>>[vector<16xi32>], vector<16xf32>,
        %parallel_loop3A_460 = arith.mulf %parallel_loop3A_459, %parallel_loop3A_458 : vector<16xf32>
        %parallel_loop3A_461 = arith.addf %parallel_loop3A_444, %parallel_loop3A_460 : vector<16xf32>
        %parallel_loop3A_462 = arith.constant 35937 : i32
        %parallel_loop3A_463 = vector.broadcast %parallel_loop3A_462 : i32 to vector<16xi32>
        %parallel_loop3A_464 = arith.addi %parallel_loop3A_457, %parallel_loop3A_463 : vector<16xi32>
        %parallel_loop3A_465 = tpu.vector_load_idx %arg5[%parallel_loop3A_464] : memref<107811xf32, #tpu.memory_space<vmem>>[vector<16xi32>], vector<16xf32>,
        %parallel_loop3A_466 = arith.mulf %parallel_loop3A_465, %parallel_loop3A_458 : vector<16xf32>
        %parallel_loop3A_467 = arith.addf %parallel_loop3A_450, %parallel_loop3A_466 : vector<16xf32>
        %parallel_loop3A_468 = arith.constant 35937 : i32
        %parallel_loop3A_469 = vector.broadcast %parallel_loop3A_468 : i32 to vector<16xi32>
        %parallel_loop3A_470 = arith.addi %parallel_loop3A_464, %parallel_loop3A_469 : vector<16xi32>
        %parallel_loop3A_471 = tpu.vector_load_idx %arg5[%parallel_loop3A_470] : memref<107811xf32, #tpu.memory_space<vmem>>[vector<16xi32>], vector<16xf32>,
        %parallel_loop3A_472 = arith.mulf %parallel_loop3A_471, %parallel_loop3A_458 : vector<16xf32>
        %parallel_loop3A_473 = arith.addf %parallel_loop3A_456, %parallel_loop3A_472 : vector<16xf32>
        %parallel_loop3A_474 = arith.addi %parallel_loop3A_377, %parallel_loop3A_338 : vector<16xi32>
        %parallel_loop3A_475 = arith.mulf %parallel_loop3A_390, %parallel_loop3A_335 : vector<16xf32>
        %parallel_loop3A_476 = tpu.vector_load_idx %arg5[%parallel_loop3A_474] : memref<107811xf32, #tpu.memory_space<vmem>>[vector<16xi32>], vector<16xf32>,
        %parallel_loop3A_477 = arith.mulf %parallel_loop3A_476, %parallel_loop3A_475 : vector<16xf32>
        %parallel_loop3A_478 = arith.addf %parallel_loop3A_461, %parallel_loop3A_477 : vector<16xf32>
        %parallel_loop3A_479 = arith.constant 35937 : i32
        %parallel_loop3A_480 = vector.broadcast %parallel_loop3A_479 : i32 to vector<16xi32>
        %parallel_loop3A_481 = arith.addi %parallel_loop3A_474, %parallel_loop3A_480 : vector<16xi32>
        %parallel_loop3A_482 = tpu.vector_load_idx %arg5[%parallel_loop3A_481] : memref<107811xf32, #tpu.memory_space<vmem>>[vector<16xi32>], vector<16xf32>,
        %parallel_loop3A_483 = arith.mulf %parallel_loop3A_482, %parallel_loop3A_475 : vector<16xf32>
        %parallel_loop3A_484 = arith.addf %parallel_loop3A_467, %parallel_loop3A_483 : vector<16xf32>
        %parallel_loop3A_485 = arith.constant 35937 : i32
        %parallel_loop3A_486 = vector.broadcast %parallel_loop3A_485 : i32 to vector<16xi32>
        %parallel_loop3A_487 = arith.addi %parallel_loop3A_481, %parallel_loop3A_486 : vector<16xi32>
        %parallel_loop3A_488 = tpu.vector_load_idx %arg5[%parallel_loop3A_487] : memref<107811xf32, #tpu.memory_space<vmem>>[vector<16xi32>], vector<16xf32>,
        %parallel_loop3A_489 = arith.mulf %parallel_loop3A_488, %parallel_loop3A_475 : vector<16xf32>
        %parallel_loop3A_490 = arith.addf %parallel_loop3A_473, %parallel_loop3A_489 : vector<16xf32>
        %parallel_loop3A_491 = arith.addi %parallel_loop3A_378, %parallel_loop3A_333 : vector<16xi32>
        %parallel_loop3A_492 = arith.mulf %parallel_loop3A_391, %parallel_loop3A_381 : vector<16xf32>
        %parallel_loop3A_493 = tpu.vector_load_idx %arg5[%parallel_loop3A_491] : memref<107811xf32, #tpu.memory_space<vmem>>[vector<16xi32>], vector<16xf32>,
        %parallel_loop3A_494 = arith.mulf %parallel_loop3A_493, %parallel_loop3A_492 : vector<16xf32>
        %parallel_loop3A_495 = arith.addf %parallel_loop3A_478, %parallel_loop3A_494 : vector<16xf32>
        %parallel_loop3A_496 = arith.constant 35937 : i32
        %parallel_loop3A_497 = vector.broadcast %parallel_loop3A_496 : i32 to vector<16xi32>
        %parallel_loop3A_498 = arith.addi %parallel_loop3A_491, %parallel_loop3A_497 : vector<16xi32>
        %parallel_loop3A_499 = tpu.vector_load_idx %arg5[%parallel_loop3A_498] : memref<107811xf32, #tpu.memory_space<vmem>>[vector<16xi32>], vector<16xf32>,
        %parallel_loop3A_500 = arith.mulf %parallel_loop3A_499, %parallel_loop3A_492 : vector<16xf32>
        %parallel_loop3A_501 = arith.addf %parallel_loop3A_484, %parallel_loop3A_500 : vector<16xf32>
        %parallel_loop3A_502 = arith.constant 35937 : i32
        %parallel_loop3A_503 = vector.broadcast %parallel_loop3A_502 : i32 to vector<16xi32>
        %parallel_loop3A_504 = arith.addi %parallel_loop3A_498, %parallel_loop3A_503 : vector<16xi32>
        %parallel_loop3A_505 = tpu.vector_load_idx %arg5[%parallel_loop3A_504] : memref<107811xf32, #tpu.memory_space<vmem>>[vector<16xi32>], vector<16xf32>,
        %parallel_loop3A_506 = arith.mulf %parallel_loop3A_505, %parallel_loop3A_492 : vector<16xf32>
        %parallel_loop3A_507 = arith.addf %parallel_loop3A_490, %parallel_loop3A_506 : vector<16xf32>
        %parallel_loop3A_508 = arith.addi %parallel_loop3A_378, %parallel_loop3A_338 : vector<16xi32>
        %parallel_loop3A_509 = arith.mulf %parallel_loop3A_391, %parallel_loop3A_335 : vector<16xf32>
        %parallel_loop3A_510 = tpu.vector_load_idx %arg5[%parallel_loop3A_508] : memref<107811xf32, #tpu.memory_space<vmem>>[vector<16xi32>], vector<16xf32>,
        %parallel_loop3A_511 = arith.mulf %parallel_loop3A_510, %parallel_loop3A_509 : vector<16xf32>
        %parallel_loop3A_512 = arith.addf %parallel_loop3A_495, %parallel_loop3A_511 : vector<16xf32>
        %parallel_loop3A_513 = arith.constant 35937 : i32
        %parallel_loop3A_514 = vector.broadcast %parallel_loop3A_513 : i32 to vector<16xi32>
        %parallel_loop3A_515 = arith.addi %parallel_loop3A_508, %parallel_loop3A_514 : vector<16xi32>
        %parallel_loop3A_516 = tpu.vector_load_idx %arg5[%parallel_loop3A_515] : memref<107811xf32, #tpu.memory_space<vmem>>[vector<16xi32>], vector<16xf32>,
        %parallel_loop3A_517 = arith.mulf %parallel_loop3A_516, %parallel_loop3A_509 : vector<16xf32>
        %parallel_loop3A_518 = arith.addf %parallel_loop3A_501, %parallel_loop3A_517 : vector<16xf32>
        %parallel_loop3A_519 = arith.constant 35937 : i32
        %parallel_loop3A_520 = vector.broadcast %parallel_loop3A_519 : i32 to vector<16xi32>
        %parallel_loop3A_521 = arith.addi %parallel_loop3A_515, %parallel_loop3A_520 : vector<16xi32>
        %parallel_loop3A_522 = tpu.vector_load_idx %arg5[%parallel_loop3A_521] : memref<107811xf32, #tpu.memory_space<vmem>>[vector<16xi32>], vector<16xf32>,
        %parallel_loop3A_523 = arith.mulf %parallel_loop3A_522, %parallel_loop3A_509 : vector<16xf32>
        %parallel_loop3A_524 = arith.addf %parallel_loop3A_507, %parallel_loop3A_523 : vector<16xf32>
        %parallel_loop3A_525 = arith.index_cast %parallel_loop3A_308 : i32 to index
        %parallel_loop3A_526 = arith.index_cast %parallel_loop3A_326 : i32 to index
        %parallel_loop3A_527 = tpu.vector_load %arg15[%parallel_loop3A_525, %parallel_loop3A_526] {strides = array<i32>} : memref<2x512xf32, #tpu.memory_space<vmem>>, vector<16xf32>,
        tpu.vector_store %arg15[%parallel_loop3A_525, %parallel_loop3A_526], %parallel_loop3A_512 {strides = array<i32>} : memref<2x512xf32, #tpu.memory_space<vmem>>, vector<16xf32>,
        %parallel_loop3A_528 = arith.index_cast %parallel_loop3A_308 : i32 to index
        %parallel_loop3A_529 = arith.index_cast %parallel_loop3A_326 : i32 to index
        %parallel_loop3A_530 = tpu.vector_load %arg16[%parallel_loop3A_528, %parallel_loop3A_529] {strides = array<i32>} : memref<2x512xf32, #tpu.memory_space<vmem>>, vector<16xf32>,
        tpu.vector_store %arg16[%parallel_loop3A_528, %parallel_loop3A_529], %parallel_loop3A_518 {strides = array<i32>} : memref<2x512xf32, #tpu.memory_space<vmem>>, vector<16xf32>,
        %parallel_loop3A_531 = arith.index_cast %parallel_loop3A_308 : i32 to index
        %parallel_loop3A_532 = arith.index_cast %parallel_loop3A_326 : i32 to index
        %parallel_loop3A_533 = tpu.vector_load %arg17[%parallel_loop3A_531, %parallel_loop3A_532] {strides = array<i32>} : memref<2x512xf32, #tpu.memory_space<vmem>>, vector<16xf32>,
        tpu.vector_store %arg17[%parallel_loop3A_531, %parallel_loop3A_532], %parallel_loop3A_524 {strides = array<i32>} : memref<2x512xf32, #tpu.memory_space<vmem>>, vector<16xf32>,
      } {sc.loop_unroll_factor = 2 : i64, sc.parallel_access}
      %mul3A_253 = arith.constant 2 : i32
      %mul3A_254 = arith.muli %add3A_214, %mul3A_253 : i32
      %add3A_255 = arith.addi %mul3A_32, %mul3A_254 : i32
      %dma_start3A_256 = arith.constant 0 : i32
      %dma_start3A_257 = arith.constant 0 : i32
      %dma_start3A_258 = tpu.memref_slice %arg4[%select_n3A, %dma_start3A_256, %add3A_255, %dma_start3A_257] : memref<8x3x512x512xf32, #tpu.memory_space<hbm>> -> memref<1x1x2x512xf32, #tpu.memory_space<hbm>>
      %dma_start3A_259 = tpu.memref_squeeze %dma_start3A_258 : memref<1x1x2x512xf32, #tpu.memory_space<hbm>> -> memref<2x512xf32, #tpu.memory_space<hbm>>
      %dma_start3A_260 = arith.constant 0 : i32
      %dma_start3A_261 = tpu.memref_slice %arg4[%select_n3A, %dma_start3A_256, %add3A_255, %dma_start3A_260] : memref<8x3x512x512xf32, #tpu.memory_space<hbm>> -> memref<1x1x2x512xf32, #tpu.memory_space<hbm>>
      %dma_start3A_262 = tpu.memref_squeeze %dma_start3A_261 : memref<1x1x2x512xf32, #tpu.memory_space<hbm>> -> memref<2x512xf32, #tpu.memory_space<hbm>>
      tpu.enqueue_dma source(%arg15 : memref<2x512xf32, #tpu.memory_space<vmem>>) target(%dma_start3A_262 : memref<2x512xf32, #tpu.memory_space<hbm>>) target_semaphore(%arg21 : memref<!tpu.dma_semaphore, #tpu.memory_space<semaphore_mem>>)
      %dma_start3A_263 = arith.constant 1 : i32
      %dma_start3A_264 = arith.constant 0 : i32
      %dma_start3A_265 = tpu.memref_slice %arg4[%select_n3A, %dma_start3A_263, %add3A_255, %dma_start3A_264] : memref<8x3x512x512xf32, #tpu.memory_space<hbm>> -> memref<1x1x2x512xf32, #tpu.memory_space<hbm>>
      %dma_start3A_266 = tpu.memref_squeeze %dma_start3A_265 : memref<1x1x2x512xf32, #tpu.memory_space<hbm>> -> memref<2x512xf32, #tpu.memory_space<hbm>>
      %dma_start3A_267 = arith.constant 0 : i32
      %dma_start3A_268 = tpu.memref_slice %arg4[%select_n3A, %dma_start3A_263, %add3A_255, %dma_start3A_267] : memref<8x3x512x512xf32, #tpu.memory_space<hbm>> -> memref<1x1x2x512xf32, #tpu.memory_space<hbm>>
      %dma_start3A_269 = tpu.memref_squeeze %dma_start3A_268 : memref<1x1x2x512xf32, #tpu.memory_space<hbm>> -> memref<2x512xf32, #tpu.memory_space<hbm>>
      tpu.enqueue_dma source(%arg16 : memref<2x512xf32, #tpu.memory_space<vmem>>) target(%dma_start3A_269 : memref<2x512xf32, #tpu.memory_space<hbm>>) target_semaphore(%arg21 : memref<!tpu.dma_semaphore, #tpu.memory_space<semaphore_mem>>)
      %dma_start3A_270 = arith.constant 2 : i32
      %dma_start3A_271 = arith.constant 0 : i32
      %dma_start3A_272 = tpu.memref_slice %arg4[%select_n3A, %dma_start3A_270, %add3A_255, %dma_start3A_271] : memref<8x3x512x512xf32, #tpu.memory_space<hbm>> -> memref<1x1x2x512xf32, #tpu.memory_space<hbm>>
      %dma_start3A_273 = tpu.memref_squeeze %dma_start3A_272 : memref<1x1x2x512xf32, #tpu.memory_space<hbm>> -> memref<2x512xf32, #tpu.memory_space<hbm>>
      %dma_start3A_274 = arith.constant 0 : i32
      %dma_start3A_275 = tpu.memref_slice %arg4[%select_n3A, %dma_start3A_270, %add3A_255, %dma_start3A_274] : memref<8x3x512x512xf32, #tpu.memory_space<hbm>> -> memref<1x1x2x512xf32, #tpu.memory_space<hbm>>
      %dma_start3A_276 = tpu.memref_squeeze %dma_start3A_275 : memref<1x1x2x512xf32, #tpu.memory_space<hbm>> -> memref<2x512xf32, #tpu.memory_space<hbm>>
      tpu.enqueue_dma source(%arg17 : memref<2x512xf32, #tpu.memory_space<vmem>>) target(%dma_start3A_276 : memref<2x512xf32, #tpu.memory_space<hbm>>) target_semaphore(%arg21 : memref<!tpu.dma_semaphore, #tpu.memory_space<semaphore_mem>>)
      %add3A_277 = arith.constant 2 : i32
      %add3A_278 = arith.addi %add3A_214, %add3A_277 : i32
      %lt3A_279 = arith.constant 64 : i32
      %lt3A_280 = arith.cmpi slt, %add3A_278, %lt3A_279 : i32
      %convert_element_type3A_281 = arith.extui %lt3A_280 : i1 to i32
      %cond3A_282 = arith.constant 0 : i32
      %cond3A_283 = arith.cmpi ne, %convert_element_type3A_281, %cond3A_282 : i32
      scf.if %cond3A_283 {
        %add3A_284 = arith.constant 2 : i32
        %add3A_285 = arith.addi %add3A_214, %add3A_284 : i32
        %mul3A_286 = arith.constant 2 : i32
        %mul3A_287 = arith.muli %add3A_285, %mul3A_286 : i32
        %add3A_288 = arith.addi %mul3A_32, %mul3A_287 : i32
        %dma_start3A_289 = arith.constant 0 : i32
        %dma_start3A_290 = arith.constant 0 : i32
        %dma_start3A_291 = tpu.memref_slice %arg3[%select_n3A, %dma_start3A_289, %add3A_288, %dma_start3A_290] : memref<8x3x512x512xf32, #tpu.memory_space<hbm>> -> memref<1x1x2x512xf32, #tpu.memory_space<hbm>>
        %dma_start3A_292 = tpu.memref_squeeze %dma_start3A_291 : memref<1x1x2x512xf32, #tpu.memory_space<hbm>> -> memref<2x512xf32, #tpu.memory_space<hbm>>
        %dma_start3A_293 = arith.constant 0 : i32
        %dma_start3A_294 = tpu.memref_slice %arg3[%select_n3A, %dma_start3A_289, %add3A_288, %dma_start3A_293] : memref<8x3x512x512xf32, #tpu.memory_space<hbm>> -> memref<1x1x2x512xf32, #tpu.memory_space<hbm>>
        %dma_start3A_295 = tpu.memref_squeeze %dma_start3A_294 : memref<1x1x2x512xf32, #tpu.memory_space<hbm>> -> memref<2x512xf32, #tpu.memory_space<hbm>>
        tpu.enqueue_dma source(%dma_start3A_295 : memref<2x512xf32, #tpu.memory_space<hbm>>) target(%arg9 : memref<2x512xf32, #tpu.memory_space<vmem>>) target_semaphore(%arg19 : memref<!tpu.dma_semaphore, #tpu.memory_space<semaphore_mem>>)
        %dma_start3A_296 = arith.constant 1 : i32
        %dma_start3A_297 = arith.constant 0 : i32
        %dma_start3A_298 = tpu.memref_slice %arg3[%select_n3A, %dma_start3A_296, %add3A_288, %dma_start3A_297] : memref<8x3x512x512xf32, #tpu.memory_space<hbm>> -> memref<1x1x2x512xf32, #tpu.memory_space<hbm>>
        %dma_start3A_299 = tpu.memref_squeeze %dma_start3A_298 : memref<1x1x2x512xf32, #tpu.memory_space<hbm>> -> memref<2x512xf32, #tpu.memory_space<hbm>>
        %dma_start3A_300 = arith.constant 0 : i32
        %dma_start3A_301 = tpu.memref_slice %arg3[%select_n3A, %dma_start3A_296, %add3A_288, %dma_start3A_300] : memref<8x3x512x512xf32, #tpu.memory_space<hbm>> -> memref<1x1x2x512xf32, #tpu.memory_space<hbm>>
        %dma_start3A_302 = tpu.memref_squeeze %dma_start3A_301 : memref<1x1x2x512xf32, #tpu.memory_space<hbm>> -> memref<2x512xf32, #tpu.memory_space<hbm>>
        tpu.enqueue_dma source(%dma_start3A_302 : memref<2x512xf32, #tpu.memory_space<hbm>>) target(%arg10 : memref<2x512xf32, #tpu.memory_space<vmem>>) target_semaphore(%arg19 : memref<!tpu.dma_semaphore, #tpu.memory_space<semaphore_mem>>)
        %dma_start3A_303 = arith.constant 2 : i32
        %dma_start3A_304 = arith.constant 0 : i32
        %dma_start3A_305 = tpu.memref_slice %arg3[%select_n3A, %dma_start3A_303, %add3A_288, %dma_start3A_304] : memref<8x3x512x512xf32, #tpu.memory_space<hbm>> -> memref<1x1x2x512xf32, #tpu.memory_space<hbm>>
        %dma_start3A_306 = tpu.memref_squeeze %dma_start3A_305 : memref<1x1x2x512xf32, #tpu.memory_space<hbm>> -> memref<2x512xf32, #tpu.memory_space<hbm>>
        %dma_start3A_307 = arith.constant 0 : i32
        %dma_start3A_308 = tpu.memref_slice %arg3[%select_n3A, %dma_start3A_303, %add3A_288, %dma_start3A_307] : memref<8x3x512x512xf32, #tpu.memory_space<hbm>> -> memref<1x1x2x512xf32, #tpu.memory_space<hbm>>
        %dma_start3A_309 = tpu.memref_squeeze %dma_start3A_308 : memref<1x1x2x512xf32, #tpu.memory_space<hbm>> -> memref<2x512xf32, #tpu.memory_space<hbm>>
        tpu.enqueue_dma source(%dma_start3A_309 : memref<2x512xf32, #tpu.memory_space<hbm>>) target(%arg11 : memref<2x512xf32, #tpu.memory_space<vmem>>) target_semaphore(%arg19 : memref<!tpu.dma_semaphore, #tpu.memory_space<semaphore_mem>>)
      } else {
      }
    }
    %scan3A_81 = arith.constant 32 : i32
    %dma_wait3A = arith.constant 0 : i32
    %dma_wait3A_82 = arith.constant 0 : i32
    %dma_wait3A_83 = arith.constant 0 : i32
    %dma_wait3A_84 = arith.constant 0 : i32
    %dma_wait3A_85 = tpu.memref_slice %arg4[%dma_wait3A, %dma_wait3A_82, %dma_wait3A_83, %dma_wait3A_84] : memref<8x3x512x512xf32, #tpu.memory_space<hbm>> -> memref<1x1x2x512xf32, #tpu.memory_space<hbm>>
    %dma_wait3A_86 = tpu.memref_squeeze %dma_wait3A_85 : memref<1x1x2x512xf32, #tpu.memory_space<hbm>> -> memref<2x512xf32, #tpu.memory_space<hbm>>
    %dma_wait3A_87 = arith.constant 0 : i32
    %dma_wait3A_88 = arith.constant 0 : i32
    %dma_wait3A_89 = tpu.memref_slice %arg4[%dma_wait3A, %dma_wait3A_82, %dma_wait3A_87, %dma_wait3A_88] : memref<8x3x512x512xf32, #tpu.memory_space<hbm>> -> memref<1x1x2x512xf32, #tpu.memory_space<hbm>>
    %dma_wait3A_90 = tpu.memref_squeeze %dma_wait3A_89 : memref<1x1x2x512xf32, #tpu.memory_space<hbm>> -> memref<2x512xf32, #tpu.memory_space<hbm>>
    tpu.wait_dma2 semaphore(%arg20 : memref<!tpu.dma_semaphore, #tpu.memory_space<semaphore_mem>>) src(%arg12 : memref<2x512xf32, #tpu.memory_space<vmem>>) dst(%dma_wait3A_90 : memref<2x512xf32, #tpu.memory_space<hbm>>)
    %dma_wait3A_91 = arith.constant 0 : i32
    %dma_wait3A_92 = arith.constant 0 : i32
    %dma_wait3A_93 = arith.constant 0 : i32
    %dma_wait3A_94 = arith.constant 0 : i32
    %dma_wait3A_95 = tpu.memref_slice %arg4[%dma_wait3A_91, %dma_wait3A_92, %dma_wait3A_93, %dma_wait3A_94] : memref<8x3x512x512xf32, #tpu.memory_space<hbm>> -> memref<1x1x2x512xf32, #tpu.memory_space<hbm>>
    %dma_wait3A_96 = tpu.memref_squeeze %dma_wait3A_95 : memref<1x1x2x512xf32, #tpu.memory_space<hbm>> -> memref<2x512xf32, #tpu.memory_space<hbm>>
    %dma_wait3A_97 = arith.constant 0 : i32
    %dma_wait3A_98 = arith.constant 0 : i32
    %dma_wait3A_99 = tpu.memref_slice %arg4[%dma_wait3A_91, %dma_wait3A_92, %dma_wait3A_97, %dma_wait3A_98] : memref<8x3x512x512xf32, #tpu.memory_space<hbm>> -> memref<1x1x2x512xf32, #tpu.memory_space<hbm>>
    %dma_wait3A_100 = tpu.memref_squeeze %dma_wait3A_99 : memref<1x1x2x512xf32, #tpu.memory_space<hbm>> -> memref<2x512xf32, #tpu.memory_space<hbm>>
    tpu.wait_dma2 semaphore(%arg20 : memref<!tpu.dma_semaphore, #tpu.memory_space<semaphore_mem>>) src(%arg13 : memref<2x512xf32, #tpu.memory_space<vmem>>) dst(%dma_wait3A_100 : memref<2x512xf32, #tpu.memory_space<hbm>>)
    %dma_wait3A_101 = arith.constant 0 : i32
    %dma_wait3A_102 = arith.constant 0 : i32
    %dma_wait3A_103 = arith.constant 0 : i32
    %dma_wait3A_104 = arith.constant 0 : i32
    %dma_wait3A_105 = tpu.memref_slice %arg4[%dma_wait3A_101, %dma_wait3A_102, %dma_wait3A_103, %dma_wait3A_104] : memref<8x3x512x512xf32, #tpu.memory_space<hbm>> -> memref<1x1x2x512xf32, #tpu.memory_space<hbm>>
    %dma_wait3A_106 = tpu.memref_squeeze %dma_wait3A_105 : memref<1x1x2x512xf32, #tpu.memory_space<hbm>> -> memref<2x512xf32, #tpu.memory_space<hbm>>
    %dma_wait3A_107 = arith.constant 0 : i32
    %dma_wait3A_108 = arith.constant 0 : i32
    %dma_wait3A_109 = tpu.memref_slice %arg4[%dma_wait3A_101, %dma_wait3A_102, %dma_wait3A_107, %dma_wait3A_108] : memref<8x3x512x512xf32, #tpu.memory_space<hbm>> -> memref<1x1x2x512xf32, #tpu.memory_space<hbm>>
    %dma_wait3A_110 = tpu.memref_squeeze %dma_wait3A_109 : memref<1x1x2x512xf32, #tpu.memory_space<hbm>> -> memref<2x512xf32, #tpu.memory_space<hbm>>
    tpu.wait_dma2 semaphore(%arg20 : memref<!tpu.dma_semaphore, #tpu.memory_space<semaphore_mem>>) src(%arg14 : memref<2x512xf32, #tpu.memory_space<vmem>>) dst(%dma_wait3A_110 : memref<2x512xf32, #tpu.memory_space<hbm>>)
    %dma_wait3A_111 = arith.constant 0 : i32
    %dma_wait3A_112 = arith.constant 0 : i32
    %dma_wait3A_113 = arith.constant 0 : i32
    %dma_wait3A_114 = arith.constant 0 : i32
    %dma_wait3A_115 = tpu.memref_slice %arg4[%dma_wait3A_111, %dma_wait3A_112, %dma_wait3A_113, %dma_wait3A_114] : memref<8x3x512x512xf32, #tpu.memory_space<hbm>> -> memref<1x1x2x512xf32, #tpu.memory_space<hbm>>
    %dma_wait3A_116 = tpu.memref_squeeze %dma_wait3A_115 : memref<1x1x2x512xf32, #tpu.memory_space<hbm>> -> memref<2x512xf32, #tpu.memory_space<hbm>>
    %dma_wait3A_117 = arith.constant 0 : i32
    %dma_wait3A_118 = arith.constant 0 : i32
    %dma_wait3A_119 = tpu.memref_slice %arg4[%dma_wait3A_111, %dma_wait3A_112, %dma_wait3A_117, %dma_wait3A_118] : memref<8x3x512x512xf32, #tpu.memory_space<hbm>> -> memref<1x1x2x512xf32, #tpu.memory_space<hbm>>
    %dma_wait3A_120 = tpu.memref_squeeze %dma_wait3A_119 : memref<1x1x2x512xf32, #tpu.memory_space<hbm>> -> memref<2x512xf32, #tpu.memory_space<hbm>>
    tpu.wait_dma2 semaphore(%arg21 : memref<!tpu.dma_semaphore, #tpu.memory_space<semaphore_mem>>) src(%arg15 : memref<2x512xf32, #tpu.memory_space<vmem>>) dst(%dma_wait3A_120 : memref<2x512xf32, #tpu.memory_space<hbm>>)
    %dma_wait3A_121 = arith.constant 0 : i32
    %dma_wait3A_122 = arith.constant 0 : i32
    %dma_wait3A_123 = arith.constant 0 : i32
    %dma_wait3A_124 = arith.constant 0 : i32
    %dma_wait3A_125 = tpu.memref_slice %arg4[%dma_wait3A_121, %dma_wait3A_122, %dma_wait3A_123, %dma_wait3A_124] : memref<8x3x512x512xf32, #tpu.memory_space<hbm>> -> memref<1x1x2x512xf32, #tpu.memory_space<hbm>>
    %dma_wait3A_126 = tpu.memref_squeeze %dma_wait3A_125 : memref<1x1x2x512xf32, #tpu.memory_space<hbm>> -> memref<2x512xf32, #tpu.memory_space<hbm>>
    %dma_wait3A_127 = arith.constant 0 : i32
    %dma_wait3A_128 = arith.constant 0 : i32
    %dma_wait3A_129 = tpu.memref_slice %arg4[%dma_wait3A_121, %dma_wait3A_122, %dma_wait3A_127, %dma_wait3A_128] : memref<8x3x512x512xf32, #tpu.memory_space<hbm>> -> memref<1x1x2x512xf32, #tpu.memory_space<hbm>>
    %dma_wait3A_130 = tpu.memref_squeeze %dma_wait3A_129 : memref<1x1x2x512xf32, #tpu.memory_space<hbm>> -> memref<2x512xf32, #tpu.memory_space<hbm>>
    tpu.wait_dma2 semaphore(%arg21 : memref<!tpu.dma_semaphore, #tpu.memory_space<semaphore_mem>>) src(%arg16 : memref<2x512xf32, #tpu.memory_space<vmem>>) dst(%dma_wait3A_130 : memref<2x512xf32, #tpu.memory_space<hbm>>)
    %dma_wait3A_131 = arith.constant 0 : i32
    %dma_wait3A_132 = arith.constant 0 : i32
    %dma_wait3A_133 = arith.constant 0 : i32
    %dma_wait3A_134 = arith.constant 0 : i32
    %dma_wait3A_135 = tpu.memref_slice %arg4[%dma_wait3A_131, %dma_wait3A_132, %dma_wait3A_133, %dma_wait3A_134] : memref<8x3x512x512xf32, #tpu.memory_space<hbm>> -> memref<1x1x2x512xf32, #tpu.memory_space<hbm>>
    %dma_wait3A_136 = tpu.memref_squeeze %dma_wait3A_135 : memref<1x1x2x512xf32, #tpu.memory_space<hbm>> -> memref<2x512xf32, #tpu.memory_space<hbm>>
    %dma_wait3A_137 = arith.constant 0 : i32
    %dma_wait3A_138 = arith.constant 0 : i32
    %dma_wait3A_139 = tpu.memref_slice %arg4[%dma_wait3A_131, %dma_wait3A_132, %dma_wait3A_137, %dma_wait3A_138] : memref<8x3x512x512xf32, #tpu.memory_space<hbm>> -> memref<1x1x2x512xf32, #tpu.memory_space<hbm>>
    %dma_wait3A_140 = tpu.memref_squeeze %dma_wait3A_139 : memref<1x1x2x512xf32, #tpu.memory_space<hbm>> -> memref<2x512xf32, #tpu.memory_space<hbm>>
    tpu.wait_dma2 semaphore(%arg21 : memref<!tpu.dma_semaphore, #tpu.memory_space<semaphore_mem>>) src(%arg17 : memref<2x512xf32, #tpu.memory_space<vmem>>) dst(%dma_wait3A_140 : memref<2x512xf32, #tpu.memory_space<hbm>>)
    return
  }
}

</mosaic_0001>

<sc_bundles>
// kernel: kernel.3.cloned.1.call-start
scs
__scs_entry_jumppad:
0x0: {  	(pc) =	sbr.rel $0x88, $3  }
0x1: {  	(tag) =	ssettag $0x0;
	lr =	simm.s32 $0x1  }
0x2: {  	[smem:$0x3F9F] =	sst lr;
	_ =	strace $0xD0000000  }
0x3: {  	_ = 	snop  }
0x4: {  	_ = 	snop  }
0x5: {  	_ = 	snop  }
0x6: {  	_ = 	snop  }
0x7: {  	_ = 	snop  }
__scs_overlays_trampoline_lowered:
0x8: {  	[smem:$0x3FAE] =	sst s0  }
0x9: {  	[smem:$0x3FAF] =	sst s1  }
0xa: {  	[smem:$0x3FB0] =	sst s2  }
0xb: {  	[smem:$0x3FB1] =	sst s3  }
0xc: {  	[smem:$0x3FB2] =	sst s4  }
0xd: {  	[smem:$0x3FB3] =	sst s5  }
0xe: {  	[smem:$0x3FB4] =	sst s6  }
0xf: {  	[smem:$0x3FB5] =	sst s7  }
0x10: {  	[smem:$0x3FB6] =	sst s8  }
0x11: {  	[smem:$0x3FB7] =	sst s9;
	s0 =	simm.s32 @!p0 $0x0  }
0x12: {  	s1 =	sld [smem:$0x3F9D];
	s0 =	simm.s32 @p0 $0x1  }
0x13: {  	[smem:$0x3FB8] =	sst s0;
	s0 =	simm.s32 @!p1 $0x0  }
0x14: {  	s2 =	sld [smem:$0x3F9C];
	s0 =	simm.s32 @p1 $0x1  }
0x15: {  	[smem:$0x3FB9] =	sst s0;
	s0 =	simm.s32 @!p2 $0x0  }
0x16: {  	s3 =	sld [smem:$0x3FDB];
	s0 =	simm.s32 @p2 $0x1  }
0x17: {  	s4 =	simm.s32 $0x1BF5;
	[smem:$0x3FBB] =	sst s0  }
0x18: {  	s0 =	sld [smem:$0x3F9E];
	_ =	swait.ge [sflag:s4], $0x0  }
0x19: {  	s7 =	sld [smem:$0x3F9F]  }
0x1a: {  	s8 =	sadd.s32 $0xFFFFE003, lr  }
0x1b: {  	s9 =	sadd.s32 $0xFFFFFEF7, lr;
	s5 =	simm.s32 $0xFFFFFFFF;
	p2 =	slt.u32 s8, $0xFFFFF086  }
0x1c: {  	p1 =	slt.u32 s9, $0xF7A;
	s5 =	simm.s32 @!p2 $0x0  }
0x1d: {  	s5 =	simm.s32 @p1 $0x1;
	p0 =	seq.s32 s7, s2  }
0x1e: {  	s7 =	smul.u32 @!p0 $0xF7A, s2;
	p2 =	seq.s32 @!p0 s5, $0x0  }
0x1f: {  	s9 =	smul.u32 $0xF7A, s1;
	s8 =	simm.s32 @!p0 $0x1BF5;
	p2 =	por !p2, p0  }
0x20: {  	[sflag:s8] =	ssyncset.s32 @!p0 $0xFFFFF086;
	s6 =	sadd.s32 @!p0 s3, s7;
	s7 =	simm.s32 @!p0 $0x108  }
0x21: {  	s3 =	sadd.s32 s3, s9;
	s6 =	sadd.s32 @!p0 $0x88, s6;
	s7 =	simm.s32 @p2 $0x1082  }
0x22: {  	[simem:s7], [sflag:s8] =	dma.local @!p0 [hbm:s6], $0xF7A  }
0x23: {  	s9 =	sor.u32 $0xD0000000, s2;
	s6 =	simm.s32 $0x108;
	_ =	swait.ge @!p0 [sflag:s8], $0x0  }
0x24: {  	s3 =	sadd.s32 $0x88, s3;
	s6 =	simm.s32 @!p1 $0x1082;
	[sflag:s4] =	ssyncset.s32 $0xFFFFF086  }
0x25: {  	[simem:s6], [sflag:s4] =	dma.local [hbm:s3], $0xF7A  }
0x26: {  	[smem:$0x3F9F] =	sst s1;
	(tag) =	ssettag s2;
	_ =	strace s9  }
0x27: {  	s1 =	sld [smem:$0x3FAF]  }
0x28: {  	s2 =	sld [smem:$0x3FB0]  }
0x29: {  	s4 =	sld [smem:$0x3FB2]  }
0x2a: {  	p0 =	seq.s32 s5, $0x0;
	s5 =	sld [smem:$0x3FB3]  }
0x2b: {  	s6 =	sld [smem:$0x3FB4]  }
0x2c: {  	s7 =	sld [smem:$0x3FB5]  }
0x2d: {  	s3 =	simm.s32 $0x108;
	s8 =	sld [smem:$0x3FB6]  }
0x2e: {  	s3 =	simm.s32 @!p0 $0x1082;
	s9 =	sld [smem:$0x3FB7]  }
0x2f: {  	lr =	sadd.s32 s0, s3;
	s0 =	sld [smem:$0x3FAE]  }
0x30: {  	s3 =	sld [smem:$0x3FB1]  }
0x31: {  	[smem:$0x3FBA] =	sst s10  }
0x32: {  	s10 =	sld [smem:$0x3FB8];
	_ =	sdelay $0x3  }
0x33: {  	p0 =	seq.s32 s10, $0x1;
	s10 =	sld [smem:$0x3FBA];
	_ =	sdelay $0x3  }
0x34: {  	[smem:$0x3FBA] =	sst s10  }
0x35: {  	s10 =	sld [smem:$0x3FB9];
	_ =	sdelay $0x3  }
0x36: {  	p1 =	seq.s32 s10, $0x1;
	s10 =	sld [smem:$0x3FBA];
	_ =	sdelay $0x3  }
0x37: {  	[smem:$0x3FBA] =	sst s10  }
0x38: {  	s10 =	sld [smem:$0x3FBB]  }
0x39: {  	_ = 	snop;
	(pc) =	sbr.ind lr, $3  }
0x3a: {  	_ = 	snop  }
0x3b: {  	_ = 	snop  }
0x3c: {  	p2 =	seq.s32 s10, $0x1;
	s10 =	sld [smem:$0x3FBA]  }
0x3d: {  	_ =	shalt  }
0x3e: {  	_ =	shalt  }
0x3f: {  	_ =	shalt  }
0x40: {  	_ =	shalt  }
0x41: {  	_ =	shalt  }
0x42: {  	_ =	shalt  }
0x43: {  	_ =	shalt  }
0x44: {  	_ =	shalt  }
0x45: {  	_ =	shalt  }
0x46: {  	_ =	shalt  }
0x47: {  	_ =	shalt  }
0x48: {  	_ =	shalt  }
0x49: {  	_ =	shalt  }
0x4a: {  	_ =	shalt  }
0x4b: {  	_ =	shalt  }
0x4c: {  	_ =	shalt  }
0x4d: {  	_ =	shalt  }
0x4e: {  	_ =	shalt  }
0x4f: {  	_ =	shalt  }
0x50: {  	_ =	shalt  }
0x51: {  	_ =	shalt  }
0x52: {  	_ =	shalt  }
0x53: {  	_ =	shalt  }
0x54: {  	_ =	shalt  }
0x55: {  	_ =	shalt  }
0x56: {  	_ =	shalt  }
0x57: {  	_ =	shalt  }
0x58: {  	_ =	shalt  }
0x59: {  	_ =	shalt  }
0x5a: {  	_ =	shalt  }
0x5b: {  	_ =	shalt  }
0x5c: {  	_ =	shalt  }
0x5d: {  	_ =	shalt  }
0x5e: {  	_ =	shalt  }
0x5f: {  	_ =	shalt  }
0x60: {  	_ =	shalt  }
0x61: {  	_ =	shalt  }
0x62: {  	_ =	shalt  }
0x63: {  	_ =	shalt  }
0x64: {  	_ =	shalt  }
0x65: {  	_ =	shalt  }
0x66: {  	_ =	shalt  }
0x67: {  	_ =	shalt  }
0x68: {  	_ =	shalt  }
0x69: {  	_ =	shalt  }
0x6a: {  	_ =	shalt  }
0x6b: {  	_ =	shalt  }
0x6c: {  	_ =	shalt  }
0x6d: {  	_ =	shalt  }
0x6e: {  	_ =	shalt  }
0x6f: {  	_ =	shalt  }
0x70: {  	_ =	shalt  }
0x71: {  	_ =	shalt  }
0x72: {  	_ =	shalt  }
0x73: {  	_ =	shalt  }
0x74: {  	_ =	shalt  }
0x75: {  	_ =	shalt  }
0x76: {  	_ =	shalt  }
0x77: {  	_ =	shalt  }
0x78: {  	_ =	shalt  }
0x79: {  	_ =	shalt  }
0x7a: {  	_ =	shalt  }
0x7b: {  	_ =	shalt  }
0x7c: {  	_ =	shalt  }
0x7d: {  	_ =	shalt  }
0x7e: {  	_ =	shalt  }
0x7f: {  	_ =	shalt  }
0x80: {  	_ =	shalt  }
0x81: {  	_ =	shalt  }
0x82: {  	_ =	shalt  }
0x83: {  	_ =	shalt  }
0x84: {  	_ =	shalt  }
0x85: {  	_ =	shalt  }
0x86: {  	_ =	shalt  }
0x87: {  	_ =	shalt  }
.Lfunc_end0:
.L_simem_size_0:
called_computation_lowered:
.L_overlay_start_0:
0x88: {  	s2 =	sld [smem:$0x3FD9]  }
0x89: {  	s3 =	sld [smem:$0x3FFE];
	_ =	sdelay $0x1  }
0x8a: {  	s1 =	srdreg.scid  }
0x8b: {  	s0 =	sand.u32 $0x1, s1  }
0x8c: {  	s17 =	sshll.u32 s0, $0xA;
	s2 =	sadd.s32 s3, s2  }
0x8d: {  	s2 =	sadd.s32 s2, s17  }
0x8e: {  	[smem:$0x3FC6] =	sst s2  }
0x8f: {  	_ = 	snop  }
0x90: {  	s2 =	sld [smem:$0x3FC8]  }
0x91: {  	s18 =	sld [smem:$0x3FD0];
	(tm) =	ssettm $0x1  }
0x92: {  	s4 =	sld [smem:$0x3FFB];
	_ =	sdelay $0x3  }
0x93: {  	_ =	strace s4  }
0x94: {  	s4 =	sld [smem:$0x3FFC];
	_ =	sdelay $0x3  }
0x95: {  	_ =	strace s4  }
0x96: {  	s4 =	sld [smem:$0x3FFD];
	_ =	sdelay $0x3  }
0x97: {  	_ =	strace s4  }
0x98: {  	_ =	strace $0x8FFFFFFF  }
0x99: {  	s19 =	sld [smem:$0x3FDB];
	_ =	sdelay $0x1  }
0x9a: {  	s5 =	simm.s32 $_scs_section_size  }
0x9b: {  	s6 =	simm.s32 $_size__tile_overlayer_lowered;
	s7 =	simm.s32 $_tile_overlayer_lowered  }
0x9c: {  	s22 =	simm.s32 $0x1BFF;
	s21 =	sshll.u32 s7, $0x1;
	s4 =	sadd.s32 s5, s19  }
0x9d: {  	s8 =	simm.s32 $0x0;
	s20 =	sshll.u32 s6, $0x1;
	s6 =	sadd.s32 s21, s4  }
0x9e: {  	[timem:s8], [sflag:s22] =	dma.local [hbm:s6], s20  }
0x9f: {  	_ =	swait.ge [sflag:s22], s20  }
0xa0: {  	s5 =	ssub.s32 $0x0, s20;
	[sflag:s22] =	ssyncset.done $0x0  }
0xa1: {  	[sflag:s22] =	ssyncadd.s32 s5;
	_ =	sdelay $0x1  }
0xa2: {  	s23 =	simm.s32 $0x1B8B  }
0xa3: {  	_ =	swait.ge [sflag:s23], $0x1  }
0xa4: {  	[sflag:s23] =	ssyncset.done $0x0  }
0xa5: {  	s25 =	simm.s32 $0x1B8E;
	s24 =	sld [smem:$0x3FFE];
	[sflag:s23] =	ssyncadd.s32 $0xFFFFFFFF  }
0xa6: {  	s26 =	simm.s32 $execute0_lowered;
	[smem:$0x3FD2] =	sst s25  }
0xa7: {  	s6 =	sshll.u32 s26, $0x1;
	_ =	strace $0x80000046;
	[dreg:$0x1] =	wrdreg $0xFFFFFFFF  }
0xa8: {  	s28 =	simm.s32 $_size_execute0_lowered;
	s4 =	sadd.s32 s4, s6;
	[dreg:$0x0] =	wrdreg $0x0  }
0xa9: {  	s6 =	sshll.u32 s28, $0x1;
	[dreg:$0x2] =	wrdreg s4  }
0xaa: {  	[dreg:$0x3] =	wrdreg s6  }
0xab: {  	[dreg:$0x4] =	wrdreg $0xC0  }
0xac: {  	_ =	task [dreg:s8], $0x5FFFF  }
0xad: {  	[dreg:$0x1] =	wrdreg $0xFFFFFFFF  }
0xae: {  	[dreg:$0x0] =	wrdreg $0x60  }
0xaf: {  	[dreg:$0x2] =	wrdreg s24  }
0xb0: {  	[dreg:$0x3] =	wrdreg s2  }
0xb1: {  	[dreg:$0x4] =	wrdreg s18  }
0xb2: {  	[dreg:$0x5] =	wrdreg $0x9  }
0xb3: {  	_ =	task.clear_ibuf [dreg:s8], $0x6FFFF;
	_ =	strace $0x90000046  }
0xb4: {  	s29 =	simm.s32 $0x9;
	_ =	strace $0x80000048  }
0xb5: {  	_ =	swait.ge [sflag:s29], $0x1  }
0xb6: {  	[sflag:s29] =	ssyncadd.s32 $0xFFFFFFFF  }
0xb7: {  	_ =	strace $0x90000048  }
0xb8: {  	_ =	sfence  }
0xb9: {  	s30 =	sld [smem:$0x0];
	_ =	sdelay $0x2  }
0xba: {  	s31 =	sshll.u32 s1, $0xD;
	s1 =	sshrl.u32 s1, $0x2  }
0xbb: {  	s3 =	sand.u32 $0x4000, s31;
	s1 =	sadd.s32 s1, s30  }
0xbc: {  	s0 =	sor.u32 s3, s0;
	s1 =	sshll.u32 s1, $0x11  }
0xbd: {  	s0 =	sor.u32 s1, s0  }
0xbe: {  	s0 =	sadd.s32 $0x8F2B, s0  }
0xbf: {  	[sflag:s0] =	ssyncadd.remote.s32 $0x1  }
0xc0: {  	_ =	sfence.sel $0xFFFF  }
0xc1: {  	[dreg:$0x0] =	wrdreg $0xFFFFFFFF;
	(pc) =	sbr.abs _section_cstart, $3  }
0xc2: {  	[dreg:$0x1] =	wrdreg $0xFFFFFFFF  }
0xc3: {  	_ =	task.clear_ibuf [dreg:s8], $0x2FFFF;
	_ =	strace $0x9FFFFFFF  }
0xc4: {  	(tm) =	ssettm $0x7FFFFFFF  }
0xc5: {  	_ =	shalt  }
tec
execute0_lowered:
.L_overlay_start_1:
0x0: {  	(tag) =	ssettag $0x1  }
0x1: {  	s0 =	rddreg [dreg:$0x0]  }
0x2: {  	s1 =	rddreg [dreg:$0x1]  }
0x3: {  	s2 =	rddreg [dreg:$0x2]  }
0x4: {  	s4 =	simm.s32 $0x0;
	s3 =	srdreg.scid;
	s7 =	stileid.u32  }
0x5: {  	s17 =	simm.s32 $0x100;
	s18 =	simm.s32 $0x400;
	s28 =	simm.s32 $0x1BD80  }
0x6: {  	s29 =	simm.s32 $0x1C180;
	s30 =	simm.s32 $0x1C580;
	s31 =	simm.s32 $0x2  }
0x7: {  	s19 =	simm.s32 $0x1D180;
	[smem:$0x7FF] =	sst s4;
	s3 =	sand.u32 $0x1, s3  }
0x8: {  	s5 =	sshll.u32 s7, $0x1;
	s7 =	sshrl.u32 s7, $0x1;
	s0 =	sadd.s32 $0x400, s0  }
0x9: {  	s24 =	sadd.s32 $0x20, s1;
	_ =	strace $0x80000047;
	s5 =	sand.u32 $0x2, s5  }
0xa: {  	s6 =	ssub.s32 $0x2, s3;
	s3 =	sor.u32 s3, s5;
	s5 =	smul.u32 $0xC0000, s7  }
0xb: {  	[dreg:$0x4] =	wrdreg s0;
	s8 =	sshrl.u32 s6, $0x1;
	s7 =	sshll.u32 s3, $0x10  }
0xc: {  	s20 =	ssub.s32 s6, s8;
	s3 =	sor.u32 s5, s7;
	s8 =	sadd.s32 $0x40000, s5  }
0xd: {  	s9 =	sadd.s32 $0x80000, s5;
	s0 =	smax.u32 s20, $0x1;
	s3 =	sshrl.u32 s3, $0x3  }
0xe: {  	s21 =	sor.u32 s8, s7;
	s10 =	sor.u32 s9, s7;
	[dreg:$0xb] =	wrdreg s0  }
0xf: {  	s0 =	simm.s32 $0x1C980;
	s11 =	sadd.s32 s1, s3;
	s6 =	sshrl.u32 s21, $0x3  }
0x10: {  	s10 =	sshrl.u32 s10, $0x3;
	s3 =	sadd.s32 s3, s24;
	[dreg:$0x5] =	wrdreg s11  }
.Ltmp0:
0x11: {  	s22 =	sadd.s32 s1, s6;
	[dreg:$0x8] =	wrdreg s3;
	(pc) =	sbr.rel .LBB2_1-.Ltmp0, $4  }
0x12: {  	s23 =	sadd.s32 s1, s10;
	s25 =	sadd.s32 s6, s24;
	[dreg:$0x6] =	wrdreg s22  }
0x13: {  	s26 =	sadd.s32 s10, s24;
	s24 =	simm.s32 $0x1B980;
	[dreg:$0x7] =	wrdreg s23  }
0x14: {  	s3 =	simm.s32 $0x1CD80;
	s11 =	simm.s32 $0x0;
	[dreg:$0x9] =	wrdreg s25  }
0x15: {  	[dreg:$0xa] =	wrdreg s26;
	s23 =	simm.s32 $0x1B580;
	s26 =	simm.s32 $0x1  }
.LBB2_8:
0x16: {  	s6 =	simm.s32 $0x3  }
0x17: {  	_ =	swait.ge [sflag:s6], $0x400  }
0x18: {  	[sflag:s6] =	ssyncset.done $0x0  }
0x19: {  	[sflag:s6] =	ssyncadd.s32 $0xFFFFFC00  }
0x1a: {  	_ =	swait.ge [sflag:s6], $0x400  }
0x1b: {  	[sflag:s6] =	ssyncset.done $0x0  }
0x1c: {  	[sflag:s6] =	ssyncadd.s32 $0xFFFFFC00  }
0x1d: {  	_ =	swait.ge [sflag:s6], $0x400  }
0x1e: {  	[sflag:s6] =	ssyncset.done $0x0  }
0x1f: {  	s10 =	simm.s32 $0x4;
	[sflag:s6] =	ssyncadd.s32 $0xFFFFFC00  }
0x20: {  	_ =	swait.ge [sflag:s10], $0x400  }
0x21: {  	[sflag:s10] =	ssyncset.done $0x0  }
0x22: {  	[sflag:s10] =	ssyncadd.s32 $0xFFFFFC00  }
0x23: {  	_ =	swait.ge [sflag:s10], $0x400  }
0x24: {  	[sflag:s10] =	ssyncset.done $0x0  }
0x25: {  	[sflag:s10] =	ssyncadd.s32 $0xFFFFFC00  }
0x26: {  	_ =	swait.ge [sflag:s10], $0x400  }
0x27: {  	s11 =	rddreg [dreg:$0xc]  }
0x28: {  	s25 =	rddreg [dreg:$0xb];
	s11 =	sadd.s32 $0x1, s11  }
0x29: {  	p0 =	sne.s32 s11, s25  }
.Ltmp1:
0x2a: {  	_ = 	snop;
	(pc) =	sbr.rel @!p0 .LBB2_9-.Ltmp1, $3  }
0x2b: {  	_ =	sdelay $0x1  }
0x2c: {  	[sflag:s10] =	ssyncset.done $0x0  }
0x2d: {  	[sflag:s10] =	ssyncadd.s32 $0xFFFFFC00  }
.LBB2_1:
0x2e: {  	[dreg:$0xc] =	wrdreg s11  }
0x2f: {  	s6 =	rddreg [dreg:$0x5];
	s10 =	simm.s32 $0x1A580  }
0x30: {  	[tilespmem:s10], [sflag:$0x1] =	stream.strided.gather [hbm4b:s6+s17], $0x400, s18, s17, $0x38;
	[tilespmem:$0x1D580] =	vst v63  }
0x31: {  	s11 =	rddreg [dreg:$0x6];
	s12 =	simm.s32 $0x1A980  }
0x32: {  	[tilespmem:s12], [sflag:$0x1] =	stream.strided.gather [hbm4b:s11+s17], $0x400, s18, s17, $0x38;
	[tilespmem:$0x1D580] =	vst v63  }
0x33: {  	s13 =	rddreg [dreg:$0x7];
	s14 =	simm.s32 $0x1AD80  }
0x34: {  	[tilespmem:s14], [sflag:$0x1] =	stream.strided.gather [hbm4b:s13+s17], $0x400, s18, s17, $0x38;
	[tilespmem:$0x1D580] =	vst v63  }
0x35: {  	s15 =	rddreg [dreg:$0x8];
	s16 =	simm.s32 $0x1B180  }
0x36: {  	[tilespmem:s16], [sflag:$0x2] =	stream.strided.gather [hbm4b:s15+s17], $0x400, s18, s17, $0x38;
	[tilespmem:$0x1D580] =	vst v63  }
0x37: {  	s20 =	rddreg [dreg:$0x9]  }
0x38: {  	[tilespmem:s23], [sflag:$0x2] =	stream.strided.gather [hbm4b:s20+s17], $0x400, s18, s17, $0x38;
	[tilespmem:$0x1D580] =	vst v63  }
0x39: {  	s21 =	rddreg [dreg:$0xa]  }
0x3a: {  	[tilespmem:s24], [sflag:$0x2] =	stream.strided.gather [hbm4b:s21+s17], $0x400, s18, s17, $0x38;
	[tilespmem:$0x1D580] =	vst v63  }
0x3b: {  	s22 =	rddreg [dreg:$0x4];
	s25 =	simm.s32 $0x5  }
0x3c: {  	[tilespmem:s4], [sflag:$0x5] =	stream.linear.gather [hbm4b:s22+s4], $0x1A580, $0x38;
	[tilespmem:$0x1D580] =	vst v63  }
0x3d: {  	_ =	swait.ge [sflag:s25], $0x1A580  }
0x3e: {  	[sflag:s25] =	ssyncset.done $0x0  }
0x3f: {  	s10 =	simm.s32 $0x0;
	[sflag:s25] =	ssyncadd.s32 $0xFFFE5A80  }
.LBB2_2:
0x40: {  	_ =	swait.ge [sflag:s26], $0x400  }
0x41: {  	[sflag:s26] =	ssyncset.done $0x0  }
0x42: {  	[sflag:s26] =	ssyncadd.s32 $0xFFFFFC00  }
0x43: {  	_ =	swait.ge [sflag:s26], $0x400  }
0x44: {  	[sflag:s26] =	ssyncset.done $0x0  }
0x45: {  	[sflag:s26] =	ssyncadd.s32 $0xFFFFFC00  }
0x46: {  	_ =	swait.ge [sflag:s26], $0x400  }
0x47: {  	p0 =	seq.s32 s10, $0x0;
	[sflag:s26] =	ssyncset.done $0x0  }
0x48: {  	s11 =	simm.s32 @!p0 $0x3;
	[sflag:s26] =	ssyncadd.s32 $0xFFFFFC00  }
0x49: {  	_ =	swait.ge @!p0 [sflag:s11], $0x400  }
0x4a: {  	[sflag:s11] =	ssyncset.done @!p0 $0x0  }
0x4b: {  	[sflag:s11] =	ssyncadd.s32 @!p0 $0xFFFFFC00  }
0x4c: {  	_ =	swait.ge @!p0 [sflag:s11], $0x400  }
0x4d: {  	[sflag:s11] =	ssyncset.done @!p0 $0x0  }
0x4e: {  	s12 =	simm.s32 $0x0;
	[sflag:s11] =	ssyncadd.s32 @!p0 $0xFFFFFC00  }
0x4f: {  	s13 =	sand.u32 $0x300, s12;
	s14 =	sand.u32 $0x80, s12;
	_ =	swait.ge @!p0 [sflag:s11], $0x400  }
0x50: {  	s15 =	sand.u32 $0x60, s12;
	s13 =	sor.u32 s14, s13;
	[sflag:s11] =	ssyncset.done @!p0 $0x0  }
0x51: {  	s14 =	sor.u32 s15, s13;
	[sflag:s11] =	ssyncadd.s32 @!p0 $0xFFFFFC00  }
0x52: {  	v0 =	vld [tilespmem:s14+$0x1A990]  }
0x53: {  	v1 =	vld [tilespmem:s14+$0x1AD90]  }
0x54: {  	v2 =	vld [tilespmem:s14+$0x1A590]  }
0x55: {  	v3 =	vld [tilespmem:s14+$0x1A980]  }
0x56: {  	v4 =	vld [tilespmem:s14+$0x1AD80]  }
0x57: {  	v5 =	vld [tilespmem:s14+$0x1A580];
	_ =	sdelay $0x1  }
0x58: {  	v0 =	vmul.f32 $3.200000000e+01, v0  }
0x59: {  	v1 =	vmul.f32 $3.200000000e+01, v1;
	v2 =	vmul.f32 $3.200000000e+01, v2  }
0x5a: {  	v8 =	vmul.f32 $3.200000000e+01, v3;
	v9 =	vmul.f32 $3.200000000e+01, v4  }
0x5b: {  	v12 =	vmul.f32 $3.200000000e+01, v5;
	v6 =	vtrunc.f32 v0  }
0x5c: {  	v7 =	vtrunc.f32 v1;
	v3 =	vtrunc.f32 v2  }
0x5d: {  	v11 =	vtrunc.f32 v8;
	v5 =	vtrunc.f32 v9  }
0x5e: {  	v28 =	vtrunc.f32 v12;
	v6 =	vcvt.f32.s32 v6  }
0x5f: {  	v7 =	vcvt.f32.s32 v7;
	v3 =	vcvt.f32.s32 v3  }
0x60: {  	v11 =	vcvt.f32.s32 v11;
	v5 =	vcvt.f32.s32 v5  }
0x61: {  	v28 =	vcvt.f32.s32 v28;
	v4 =	vmul.u32 $0x441, v7;
	v10 =	vmul.u32 $0x21, v6  }
0x62: {  	v14 =	vcvt.s32.f32 v3;
	v15 =	vadd.s32 $0x1, v3;
	v6 =	vcvt.s32.f32 v6  }
0x63: {  	v7 =	vcvt.s32.f32 v7;
	v26 =	vmul.u32 $0x21, v11;
	v31 =	vmul.u32 $0x441, v5  }
0x64: {  	v11 =	vcvt.s32.f32 v11;
	v13 =	vadd.s32 v10, v4;
	v17 =	vadd.s32 $0x21, v10  }
0x65: {  	v2 =	vsub.f32 v2, v14;
	v0 =	vsub.f32 v0, v6;
	v16 =	vadd.s32 v3, v13  }
0x66: {  	v1 =	vsub.f32 v1, v7;
	v13 =	vadd.s32 v15, v13;
	v18 =	vadd.s32 $0x118C2, v16  }
0x67: {  	v11 =	vsub.f32 v8, v11;
	v19 =	vadd.s32 v17, v4;
	v20 =	vadd.s32 $0x118C2, v13  }
0x68: {  	v8 =	vcvt.s32.f32 v28;
	v4 =	vadd.s32 $0x441, v4;
	v14 =	vadd.s32 v3, v19  }
0x69: {  	v7 =	vadd.s32 v17, v4;
	v17 =	vadd.s32 v15, v19;
	v6 =	vadd.s32 $0x118C2, v14  }
0x6a: {  	v4 =	vadd.s32 v10, v4;
	v21 =	vsub.f32 $1.000000000e+00, v0;
	v22 =	vsub.f32 $1.000000000e+00, v1;
	v33 =	vld.idx.msk [tilespmem:v16+s4+$0x0], $0xffff  }
0x6b: {  	v56 =	vmul.f32 v1, v0;
	v10 =	vadd.s32 $0x118C2, v17;
	v19 =	vadd.s32 v15, v7;
	v18 =	vld.idx.msk [tilespmem:v18+s4+$0x0], $0xffff  }
0x6c: {  	v23 =	vadd.s32 v3, v4;
	v3 =	vadd.s32 v3, v7;
	v7 =	vsub.f32 $1.000000000e+00, v2;
	v20 =	vld.idx.msk [tilespmem:v20+s4+$0x0], $0xffff  }
0x6d: {  	v4 =	vadd.s32 v15, v4;
	v24 =	vadd.s32 $0x118C2, v23;
	v25 =	vmul.f32 v22, v21;
	v34 =	vld.idx.msk [tilespmem:v13+s4+$0x0], $0xffff  }
0x6e: {  	v37 =	vadd.s32 $0x8C61, v17;
	v15 =	vmul.f32 v22, v0;
	v16 =	vadd.s32 $0x8C61, v16;
	v6 =	vld.idx.msk [tilespmem:v6+s4+$0x0], $0xffff  }
0x6f: {  	v22 =	vadd.s32 $0x118C2, v4;
	v27 =	vmul.f32 v25, v7;
	v25 =	vmul.f32 v25, v2;
	v17 =	vld.idx.msk [tilespmem:v17+s4+$0x0], $0xffff  }
0x70: {  	v21 =	vmul.f32 v21, v1;
	v29 =	vmul.f32 v15, v7;
	v13 =	vadd.s32 $0x8C61, v13;
	v10 =	vld.idx.msk [tilespmem:v10+s4+$0x0], $0xffff  }
0x71: {  	v30 =	vadd.s32 $0x118C2, v3;
	v1 =	vld.idx.msk [tilespmem:v3+s4+$0x0], $0xffff;
	v18 =	vmul.f32 v27, v18;
	v20 =	vmul.f32 v25, v20  }
0x72: {  	v58 =	vsub.f32 $1.000000000e+00, v11;
	v8 =	vsub.f32 v12, v8;
	v32 =	vadd.s32 $0x118C2, v19;
	v24 =	vld.idx.msk [tilespmem:v24+s4+$0x0], $0xffff  }
0x73: {  	v15 =	vmul.f32 v15, v2;
	v16 =	vld.idx.msk [tilespmem:v16+s4+$0x0], $0xffff;
	v6 =	vmul.f32 v6, v29;
	v18 =	vadd.f32 v20, v18  }
0x74: {  	v35 =	vadd.s32 $0x8C61, v19;
	v36 =	vadd.s32 $0x8C61, v3;
	v20 =	vld.idx.msk [tilespmem:v22+s4+$0x0], $0xffff;
	v22 =	vcvt.s32.f32 v5  }
0x75: {  	v13 =	vld.idx.msk [tilespmem:v13+s4+$0x0], $0xffff;
	v5 =	vadd.f32 v6, v18;
	v6 =	vmul.f32 v10, v15;
	v10 =	vmul.f32 v21, v7  }
0x76: {  	v38 =	vadd.s32 $0x8C61, v23;
	v3 =	vmul.f32 v56, v7;
	v17 =	vmul.f32 v17, v15;
	v18 =	vld.idx.msk [tilespmem:v30+s4+$0x0], $0xffff  }
0x77: {  	v0 =	vld.idx.msk [tilespmem:v19+s4+$0x0], $0xffff;
	v6 =	vadd.f32 v6, v5;
	v19 =	vmul.f32 v24, v10;
	v5 =	vmul.f32 v21, v2  }
0x78: {  	v30 =	vsub.f32 v9, v22;
	v9 =	vadd.s32 $0x8C61, v14;
	v16 =	vmul.f32 v27, v16;
	v21 =	vld.idx.msk [tilespmem:v32+s4+$0x0], $0xffff  }
0x79: {  	v27 =	vmul.f32 v27, v33;
	v6 =	vadd.f32 v19, v6;
	v19 =	vmul.f32 v20, v5  }
0x7a: {  	v23 =	vld.idx.msk [tilespmem:v23+s4+$0x0], $0xffff;
	v13 =	vmul.f32 v25, v13;
	v24 =	vadd.s32 v26, v31;
	v32 =	vadd.s32 $0x8C61, v4  }
0x7b: {  	v37 =	vld.idx.msk [tilespmem:v37+s4+$0x0], $0xffff;
	v2 =	vmul.f32 v56, v2;
	v7 =	vmul.f32 v18, v3;
	v6 =	vadd.f32 v19, v6  }
0x7c: {  	v14 =	vld.idx.msk [tilespmem:v14+s4+$0x0], $0xffff;
	v20 =	vadd.s32 $0x1, v28;
	v18 =	vadd.s32 $0x21, v26;
	v19 =	vadd.s32 v28, v24  }
0x7d: {  	v4 =	vld.idx.msk [tilespmem:v4+s4+$0x0], $0xffff;
	v22 =	vadd.s32 $0x8C61, v19;
	v6 =	vadd.f32 v7, v6;
	v7 =	vmul.f32 v21, v2  }
0x7e: {  	v45 =	vld.idx.msk [tilespmem:v9+s4+$0x0], $0xffff;
	v57 =	vadd.s32 v18, v31;
	v21 =	vadd.s32 v20, v24;
	v24 =	vadd.s32 $0x118C2, v19  }
0x7f: {  	v42 =	vsub.f32 $1.000000000e+00, v30;
	v43 =	vadd.s32 v28, v57;
	v39 =	vadd.f32 v7, v6;
	v6 =	vld.idx.msk [tilespmem:v35+s4+$0x0], $0xffff  }
0x80: {  	v25 =	vmul.f32 v25, v34;
	v13 =	vadd.f32 v13, v16;
	v12 =	vadd.s32 $0x8C61, v43;
	v7 =	vld.idx.msk [tilespmem:v36+s4+$0x0], $0xffff  }
0x81: {  	v46 =	vmul.f32 v42, v58;
	v42 =	vmul.f32 v42, v11;
	v40 =	vadd.s32 $0x8C61, v21;
	v19 =	vld.idx.msk [tilespmem:v19+s4+$0x0], $0xffff  }
0x82: {  	v11 =	vmul.f32 v30, v11;
	v9 =	vsub.f32 $1.000000000e+00, v8;
	v41 =	vadd.s32 $0x118C2, v21;
	v22 =	vld.idx.msk [tilespmem:v22+s4+$0x0], $0xffff  }
0x83: {  	v14 =	vmul.f32 v29, v14;
	v31 =	vadd.s32 $0x441, v31;
	v35 =	vadd.s32 v20, v57;
	v24 =	vld.idx.msk [tilespmem:v24+s4+$0x0], $0xffff  }
0x84: {  	v49 =	vmul.f32 v46, v8;
	v26 =	vadd.s32 v26, v31;
	v44 =	vadd.s32 $0x118C2, v43;
	v21 =	vld.idx.msk [tilespmem:v21+s4+$0x0], $0xffff  }
0x85: {  	v46 =	vmul.f32 v46, v9;
	v60 =	vmul.f32 v42, v9;
	v18 =	vadd.s32 v18, v31;
	v12 =	vld.idx.msk [tilespmem:v12+s4+$0x0], $0xffff  }
0x86: {  	v42 =	vmul.f32 v42, v8;
	v50 =	vadd.s32 v28, v26;
	v26 =	vadd.s32 v20, v26;
	v40 =	vld.idx.msk [tilespmem:v40+s4+$0x0], $0xffff  }
0x87: {  	v28 =	vadd.s32 v28, v18;
	v36 =	vmul.f32 v58, v30;
	v48 =	vadd.s32 $0x118C2, v35;
	v59 =	vld.idx.msk [tilespmem:v41+s4+$0x0], $0xffff  }
0x88: {  	v51 =	vadd.s32 $0x8C61, v50;
	v61 =	vadd.s32 $0x118C2, v50;
	v47 =	vadd.s32 $0x8C61, v35;
	v55 =	vld.idx.msk [tilespmem:v35+s4+$0x0], $0xffff  }
0x89: {  	v57 =	vmul.f32 v36, v9;
	v16 =	vmul.f32 v46, v22;
	v22 =	vadd.f32 v25, v27;
	v27 =	vld.idx.msk [tilespmem:v44+s4+$0x0], $0xffff  }
0x8a: {  	v62 =	vadd.s32 $0x8C61, v26;
	v19 =	vmul.f32 v46, v19;
	v25 =	vmul.f32 v45, v29;
	v29 =	vld.idx.msk [tilespmem:v43+s4+$0x0], $0xffff  }
0x8b: {  	v52 =	vadd.s32 $0x118C2, v26;
	v56 =	vld.idx.msk [tilespmem:v50+s4+$0x0], $0xffff;
	v24 =	vmul.f32 v46, v24;
	v21 =	vmul.f32 v49, v21  }
0x8c: {  	v58 =	vadd.s32 $0x118C2, v28;
	v54 =	vld.idx.msk [tilespmem:v48+s4+$0x0], $0xffff;
	v12 =	vmul.f32 v12, v60;
	v63 =	vmul.f32 v49, v40  }
0x8d: {  	v53 =	vld.idx.msk [tilespmem:v47+s4+$0x0], $0xffff;
	v33 =	vmul.f32 v49, v59;
	v13 =	vadd.f32 v25, v13;
	v14 =	vadd.f32 v22, v14  }
0x8e: {  	v22 =	vld.idx.msk [tilespmem:v51+s4+$0x0], $0xffff;
	v19 =	vadd.f32 v21, v19;
	v31 =	vmul.f32 v55, v42;
	v16 =	vadd.f32 v63, v16  }
0x8f: {  	v25 =	vld.idx.msk [tilespmem:v38+s4+$0x0], $0xffff;
	v24 =	vadd.f32 v33, v24;
	v21 =	vmul.f32 v27, v60;
	v27 =	vmul.f32 v60, v29  }
0x90: {  	v32 =	vld.idx.msk [tilespmem:v32+s4+$0x0], $0xffff;
	v60 =	vadd.s32 v20, v18;
	v20 =	vadd.f32 v17, v14;
	v12 =	vadd.f32 v12, v16  }
0x91: {  	v29 =	vld.idx.msk [tilespmem:v61+s4+$0x0], $0xffff;
	v16 =	vmul.f32 v37, v15;
	v15 =	vmul.f32 v54, v42;
	v21 =	vadd.f32 v21, v24  }
0x92: {  	v59 =	vld.idx.msk [tilespmem:v62+s4+$0x0], $0xffff;
	v24 =	vmul.f32 v53, v42;
	v19 =	vadd.f32 v19, v27;
	v27 =	vadd.s32 $0x8C61, v28  }
0x93: {  	v18 =	vld.idx.msk [tilespmem:v26+s4+$0x0], $0xffff;
	v17 =	vmul.f32 v56, v57;
	v14 =	vadd.s32 $0x118C2, v60;
	v61 =	vmul.f32 v22, v57  }
0x94: {  	v63 =	vmul.f32 v25, v10;
	v24 =	vadd.f32 v24, v12;
	v21 =	vadd.f32 v15, v21;
	v15 =	vld.idx.msk [tilespmem:v52+s4+$0x0], $0xffff  }
0x95: {  	[tilespmem:s14+$0x1C590] =	vst v39;
	v62 =	vadd.f32 v16, v13;
	v13 =	vld.idx.msk [tilespmem:v58+s4+$0x0], $0xffff;
	v31 =	vadd.f32 v31, v19;
	v19 =	vadd.s32 $0x8C61, v60  }
0x96: {  	v25 =	vmul.f32 v36, v8;
	v12 =	vld.idx.msk [tilespmem:v28+s4+$0x0], $0xffff;
	v29 =	vmul.f32 v29, v57;
	v26 =	vadd.f32 v61, v24  }
0x97: {  	s16 =	simm.s32 $0x8;
	v22 =	vmul.f32 v23, v10;
	v17 =	vadd.f32 v17, v31;
	v24 =	vadd.f32 v63, v62;
	v16 =	vld.idx.msk [tilespmem:v27+s4+$0x0], $0xffff  }
0x98: {  	s13 =	simm.s32 $0x0;
	s15 =	simm.s32 $0x40;
	s11 =	sshll.u32 s10, $0x1;
	v10 =	vld.idx.msk [tilespmem:v60+s4+$0x0], $0xffff;
	v23 =	vadd.f32 v29, v21;
	v21 =	vmul.f32 v32, v5;
	v27 =	vmul.f32 v59, v25  }
.LBB2_3:
0x99: {  	s20 =	sand.u32 $0x300, s15;
	s21 =	sand.u32 $0x80, s16;
	v18 =	vmul.f32 v18, v25;
	v15 =	vmul.f32 v15, v25;
	v20 =	vadd.f32 v22, v20;
	s12 =	sadd.s32 $0x20, s12  }
0x9a: {  	v9 =	vmul.f32 v11, v9;
	v4 =	vmul.f32 v4, v5;
	s25 =	sand.u32 $0x60, s12;
	s20 =	sor.u32 s21, s20;
	v22 =	vadd.f32 v27, v26;
	v19 =	vld.idx.msk [tilespmem:v19+s4+$0x0], $0xffff  }
0x9b: {  	s13 =	sadd.s32 $0x2, s13;
	v7 =	vmul.f32 v7, v3;
	s20 =	sor.u32 s25, s20;
	v5 =	vadd.f32 v15, v23;
	v14 =	vld.idx.msk [tilespmem:v14+s4+$0x0], $0xffff;
	v15 =	vadd.f32 v21, v24  }
0x9c: {  	p1 =	slt.u32 s13, $0x3E;
	v17 =	vadd.f32 v18, v17;
	v16 =	vmul.f32 v16, v9;
	v4 =	vadd.f32 v4, v20;
	v21 =	vld [tilespmem:s20+$0x1A990]  }
0x9d: {  	v12 =	vmul.f32 v12, v9;
	v9 =	vmul.f32 v13, v9;
	v18 =	vld [tilespmem:s20+$0x1AD90];
	v7 =	vadd.f32 v7, v15  }
0x9e: {  	v8 =	vmul.f32 v11, v8;
	v1 =	vmul.f32 v1, v3;
	v15 =	vadd.f32 v16, v22;
	v13 =	vld [tilespmem:s20+$0x1A590]  }
0x9f: {  	v6 =	vmul.f32 v6, v2;
	v11 =	vadd.f32 v12, v17;
	v5 =	vadd.f32 v9, v5;
	v3 =	vld [tilespmem:s20+$0x1A980]  }
0xa0: {  	v10 =	vmul.f32 v10, v8;
	v1 =	vadd.f32 v1, v4;
	v12 =	vmul.f32 v19, v8;
	v9 =	vld [tilespmem:s20+$0x1AD80]  }
0xa1: {  	v0 =	vmul.f32 v0, v2;
	v2 =	vadd.f32 v6, v7;
	v8 =	vmul.f32 v14, v8;
	v4 =	vld [tilespmem:s20+$0x1A580]  }
0xa2: {  	v14 =	vmul.f32 $3.200000000e+01, v21;
	v6 =	vadd.f32 v12, v15;
	v16 =	vmul.f32 $3.200000000e+01, v18  }
0xa3: {  	v10 =	vadd.f32 v10, v11;
	v5 =	vadd.f32 v8, v5;
	v12 =	vmul.f32 $3.200000000e+01, v13;
	[tilespmem:s14+$0x1C190] =	vst v2  }
0xa4: {  	v0 =	vadd.f32 v0, v1;
	v2 =	vtrunc.f32 v14;
	v7 =	vtrunc.f32 v16;
	[tilespmem:s14+$0x1C180] =	vst v6  }
0xa5: {  	v1 =	vcvt.f32.s32 v2;
	v2 =	vcvt.f32.s32 v7;
	[tilespmem:s14+$0x1C580] =	vst v5  }
0xa6: {  	v6 =	vmul.f32 $3.200000000e+01, v3;
	v7 =	vmul.f32 $3.200000000e+01, v9;
	[tilespmem:s14+$0x1BD80] =	vst v10  }
0xa7: {  	v3 =	vtrunc.f32 v12;
	v9 =	vmul.u32 $0x21, v1;
	v5 =	vmul.u32 $0x441, v2;
	[tilespmem:s14+$0x1BD90] =	vst v0;
	s14 =	smov.u32 s20  }
0xa8: {  	v3 =	vcvt.f32.s32 v3;
	v0 =	vtrunc.f32 v6  }
0xa9: {  	v8 =	vmul.f32 $3.200000000e+01, v4;
	v4 =	vtrunc.f32 v7;
	v10 =	vadd.s32 v9, v5  }
0xaa: {  	v11 =	vcvt.s32.f32 v3;
	v13 =	vadd.s32 $0x1, v3;
	v17 =	vadd.s32 v3, v10  }
0xab: {  	v15 =	vadd.s32 $0x21, v9;
	v20 =	vadd.s32 v13, v10;
	v18 =	vadd.s32 $0x118C2, v17  }
0xac: {  	v1 =	vcvt.s32.f32 v1;
	v10 =	vadd.s32 v15, v5;
	v19 =	vadd.s32 $0x118C2, v20  }
0xad: {  	v2 =	vcvt.s32.f32 v2;
	v22 =	vsub.f32 v12, v11;
	v23 =	vadd.s32 v3, v10  }
0xae: {  	v11 =	vsub.f32 v14, v1;
	v1 =	vadd.s32 $0x441, v5;
	v5 =	vadd.s32 $0x118C2, v23  }
0xaf: {  	v2 =	vsub.f32 v16, v2;
	v12 =	vadd.s32 v15, v1;
	v14 =	vadd.s32 v13, v10  }
0xb0: {  	v1 =	vadd.s32 v9, v1;
	v10 =	vadd.s32 $0x118C2, v14;
	v16 =	vadd.s32 v13, v12;
	v9 =	vld.idx.msk [tilespmem:v18+s4+$0x0], $0xffff  }
0xb1: {  	v15 =	vsub.f32 $1.000000000e+00, v2;
	v24 =	vsub.f32 $1.000000000e+00, v11;
	v26 =	vadd.s32 v3, v1;
	v25 =	vld.idx.msk [tilespmem:v19+s4+$0x0], $0xffff  }
0xb2: {  	v27 =	vcvt.f32.s32 v0;
	v3 =	vadd.s32 v3, v12;
	v28 =	vadd.s32 $0x118C2, v26;
	v19 =	vld.idx.msk [tilespmem:v17+s4+$0x0], $0xffff  }
0xb3: {  	v29 =	vsub.f32 $1.000000000e+00, v22;
	v13 =	vadd.s32 v13, v1;
	v0 =	vmul.f32 v15, v24;
	v5 =	vld.idx.msk [tilespmem:v5+s4+$0x0], $0xffff  }
0xb4: {  	v4 =	vcvt.f32.s32 v4;
	v12 =	vmul.f32 v15, v11;
	v30 =	vadd.s32 $0x118C2, v13;
	v21 =	vld.idx.msk [tilespmem:v20+s4+$0x0], $0xffff  }
0xb5: {  	v31 =	vmul.u32 $0x21, v27;
	v32 =	vmul.f32 v0, v29;
	v33 =	vmul.f32 v0, v22;
	v10 =	vld.idx.msk [tilespmem:v10+s4+$0x0], $0xffff  }
0xb6: {  	v1 =	vtrunc.f32 v8;
	v34 =	vadd.s32 $0x118C2, v3;
	v18 =	vmul.f32 v12, v29;
	v0 =	vld.idx.msk [tilespmem:v16+s4+$0x0], $0xffff  }
0xb7: {  	v35 =	vmul.u32 $0x441, v4;
	v9 =	vmul.f32 v32, v9;
	v25 =	vmul.f32 v33, v25;
	v28 =	vld.idx.msk [tilespmem:v28+s4+$0x0], $0xffff  }
0xb8: {  	v36 =	vadd.s32 $0x118C2, v16;
	v15 =	vcvt.f32.s32 v1;
	v24 =	vmul.f32 v24, v2;
	v1 =	vld.idx.msk [tilespmem:v3+s4+$0x0], $0xffff  }
0xb9: {  	v12 =	vmul.f32 v12, v22;
	v9 =	vadd.f32 v25, v9;
	v5 =	vmul.f32 v5, v18;
	v25 =	vld.idx.msk [tilespmem:v30+s4+$0x0], $0xffff  }
0xba: {  	v27 =	vcvt.s32.f32 v27;
	v17 =	vadd.s32 $0x8C61, v17;
	v30 =	vcvt.s32.f32 v4;
	v4 =	vld.idx.msk [tilespmem:v13+s4+$0x0], $0xffff  }
0xbb: {  	v5 =	vadd.f32 v5, v9;
	v9 =	vmul.f32 v10, v12;
	v10 =	vmul.f32 v24, v29;
	v34 =	vld.idx.msk [tilespmem:v34+s4+$0x0], $0xffff  }
0xbc: {  	v37 =	vadd.s32 $0x8C61, v20;
	v38 =	vadd.s32 $0x8C61, v16;
	v2 =	vmul.f32 v2, v11;
	v11 =	vld.idx.msk [tilespmem:v26+s4+$0x0], $0xffff  }
0xbd: {  	v9 =	vadd.f32 v9, v5;
	v16 =	vmul.f32 v28, v10;
	v5 =	vmul.f32 v24, v22;
	v24 =	vld.idx.msk [tilespmem:v36+s4+$0x0], $0xffff  }
0xbe: {  	v39 =	vadd.s32 $0x8C61, v3;
	v28 =	vadd.s32 v31, v35;
	v36 =	vadd.s32 $0x8C61, v13;
	v20 =	vld.idx.msk [tilespmem:v14+s4+$0x0], $0xffff  }
0xbf: {  	v3 =	vmul.f32 v2, v29;
	v9 =	vadd.f32 v16, v9;
	v13 =	vmul.f32 v25, v5;
	v40 =	vld.idx.msk [tilespmem:v23+s4+$0x0], $0xffff  }
0xc0: {  	v29 =	vadd.s32 $0x8C61, v14;
	v26 =	vadd.s32 $0x8C61, v26;
	v16 =	vadd.s32 $0x1, v15;
	v25 =	vld.idx.msk [tilespmem:v17+s4+$0x0], $0xffff  }
0xc1: {  	v2 =	vmul.f32 v2, v22;
	v9 =	vadd.f32 v13, v9;
	v17 =	vmul.f32 v34, v3;
	v37 =	vld.idx.msk [tilespmem:v37+s4+$0x0], $0xffff  }
0xc2: {  	v22 =	vadd.s32 $0x8C61, v23;
	v14 =	vsub.f32 v7, v30;
	v13 =	vsub.f32 v6, v27;
	v6 =	vld.idx.msk [tilespmem:v38+s4+$0x0], $0xffff  }
0xc3: {  	v23 =	vcvt.s32.f32 v15;
	v9 =	vadd.f32 v17, v9;
	v24 =	vmul.f32 v24, v2;
	v7 =	vld.idx.msk [tilespmem:v39+s4+$0x0], $0xffff  }
0xc4: {  	v30 =	vadd.s32 v15, v28;
	v28 =	vadd.s32 v16, v28;
	v27 =	vadd.s32 $0x21, v31;
	v17 =	vld.idx.msk [tilespmem:v36+s4+$0x0], $0xffff  }
0xc5: {  	v34 =	vadd.s32 $0x8C61, v30;
	v36 =	vadd.s32 $0x118C2, v30;
	v9 =	vadd.f32 v24, v9;
	v26 =	vld.idx.msk [tilespmem:v26+s4+$0x0], $0xffff  }
0xc6: {  	v38 =	vadd.s32 $0x8C61, v28;
	v39 =	vadd.s32 $0x118C2, v28;
	v24 =	vadd.s32 v27, v35;
	v29 =	vld.idx.msk [tilespmem:v29+s4+$0x0], $0xffff  }
0xc7: {  	v42 =	vsub.f32 $1.000000000e+00, v14;
	v41 =	vsub.f32 $1.000000000e+00, v13;
	v43 =	vadd.s32 v15, v24;
	v22 =	vld.idx.msk [tilespmem:v22+s4+$0x0], $0xffff;
	[tilespmem:s14+$0x1C590] =	vst v9  }
0xc8: {  	v8 =	vsub.f32 v8, v23;
	v23 =	vadd.s32 $0x8C61, v43;
	v44 =	vadd.s32 $0x118C2, v43  }
0xc9: {  	v35 =	vadd.s32 $0x441, v35;
	v45 =	vmul.f32 v42, v41;
	v24 =	vadd.s32 v16, v24;
	v30 =	vld.idx.msk [tilespmem:v30+s4+$0x0], $0xffff  }
0xca: {  	v46 =	vadd.s32 $0x8C61, v24;
	v47 =	vadd.s32 $0x118C2, v24;
	v9 =	vsub.f32 $1.000000000e+00, v8;
	v34 =	vld.idx.msk [tilespmem:v34+s4+$0x0], $0xffff  }
0xcb: {  	v42 =	vmul.f32 v42, v13;
	v31 =	vadd.s32 v31, v35;
	v48 =	vmul.f32 v45, v8;
	v36 =	vld.idx.msk [tilespmem:v36+s4+$0x0], $0xffff  }
0xcc: {  	v25 =	vmul.f32 v32, v25;
	v49 =	vadd.s32 v15, v31;
	v45 =	vmul.f32 v45, v9;
	v38 =	vld.idx.msk [tilespmem:v38+s4+$0x0], $0xffff  }
0xcd: {  	v19 =	vmul.f32 v32, v19;
	v32 =	vmul.f32 v33, v37;
	v50 =	vadd.s32 $0x8C61, v49;
	v39 =	vld.idx.msk [tilespmem:v39+s4+$0x0], $0xffff  }
0xce: {  	v21 =	vmul.f32 v33, v21;
	v51 =	vadd.s32 $0x118C2, v49;
	v37 =	vmul.f32 v42, v9;
	v28 =	vld.idx.msk [tilespmem:v28+s4+$0x0], $0xffff  }
0xcf: {  	v31 =	vadd.s32 v16, v31;
	v25 =	vadd.f32 v32, v25;
	v30 =	vmul.f32 v45, v30;
	v23 =	vld.idx.msk [tilespmem:v23+s4+$0x0], $0xffff  }
0xd0: {  	v19 =	vadd.f32 v21, v19;
	v21 =	vmul.f32 v22, v18;
	v32 =	vmul.f32 v45, v34;
	v33 =	vld.idx.msk [tilespmem:v44+s4+$0x0], $0xffff  }
0xd1: {  	v18 =	vmul.f32 v18, v40;
	v22 =	vmul.f32 v45, v36;
	v36 =	vadd.s32 $0x8C61, v31;
	v34 =	vld.idx.msk [tilespmem:v43+s4+$0x0], $0xffff  }
0xd2: {  	v27 =	vadd.s32 v27, v35;
	v40 =	vadd.s32 $0x118C2, v31;
	v35 =	vmul.f32 v48, v38;
	v38 =	vld.idx.msk [tilespmem:v46+s4+$0x0], $0xffff  }
0xd3: {  	v42 =	vmul.f32 v42, v8;
	v44 =	vadd.s32 v15, v27;
	v39 =	vmul.f32 v48, v39;
	v43 =	vld.idx.msk [tilespmem:v47+s4+$0x0], $0xffff  }
0xd4: {  	v41 =	vmul.f32 v41, v14;
	v15 =	vmul.f32 v48, v28;
	v28 =	vadd.f32 v35, v32;
	v24 =	vld.idx.msk [tilespmem:v24+s4+$0x0], $0xffff  }
0xd5: {  	v21 =	vadd.f32 v21, v25;
	v22 =	vadd.f32 v39, v22;
	v23 =	vmul.f32 v23, v37;
	v32 =	vld.idx.msk [tilespmem:v50+s4+$0x0], $0xffff  }
0xd6: {  	v19 =	vadd.f32 v19, v18;
	v15 =	vadd.f32 v15, v30;
	v25 =	vmul.f32 v33, v37;
	v30 =	vld.idx.msk [tilespmem:v51+s4+$0x0], $0xffff  }
0xd7: {  	v29 =	vmul.f32 v29, v12;
	v18 =	vmul.f32 v37, v34;
	v23 =	vadd.f32 v23, v28;
	v28 =	vld.idx.msk [tilespmem:v49+s4+$0x0], $0xffff  }
0xd8: {  	v20 =	vmul.f32 v20, v12;
	v22 =	vadd.f32 v25, v22;
	v25 =	vmul.f32 v38, v42;
	v33 =	vld.idx.msk [tilespmem:v36+s4+$0x0], $0xffff  }
0xd9: {  	v35 =	vadd.s32 $0x8C61, v44;
	v34 =	vadd.f32 v15, v18;
	v12 =	vmul.f32 v43, v42;
	v15 =	vld.idx.msk [tilespmem:v40+s4+$0x0], $0xffff  }
0xda: {  	v36 =	vmul.f32 v41, v9;
	v24 =	vmul.f32 v24, v42;
	v18 =	vld.idx.msk [tilespmem:v31+s4+$0x0], $0xffff;
	v31 =	vadd.s32 $0x118C2, v44  }
0xdb: {  	v27 =	vadd.s32 v16, v27;
	v23 =	vadd.f32 v25, v23;
	v37 =	vadd.f32 v12, v22;
	v12 =	vld.idx.msk [tilespmem:v44+s4+$0x0], $0xffff  }
0xdc: {  	v29 =	vadd.f32 v29, v21;
	v32 =	vmul.f32 v32, v36;
	v24 =	vadd.f32 v24, v34  }
.Ltmp2:
0xdd: {  	v20 =	vadd.f32 v20, v19;
	v21 =	vmul.f32 v30, v36;
	v30 =	vmul.f32 v26, v10;
	(pc) =	sbr.rel @p1 .LBB2_3-.Ltmp2, $4  }
0xde: {  	v19 =	vadd.s32 $0x8C61, v27;
	v22 =	vmul.f32 v11, v10;
	v28 =	vmul.f32 v28, v36;
	v16 =	vld.idx.msk [tilespmem:v35+s4+$0x0], $0xffff  }
0xdf: {  	v25 =	vmul.f32 v41, v8;
	v11 =	vmul.f32 v14, v13;
	v14 =	vadd.s32 $0x118C2, v27;
	v13 =	vld.idx.msk [tilespmem:v31+s4+$0x0], $0xffff  }
0xe0: {  	v26 =	vadd.f32 v32, v23;
	v23 =	vadd.f32 v21, v37;
	v21 =	vmul.f32 v17, v5;
	v10 =	vld.idx.msk [tilespmem:v27+s4+$0x0], $0xffff  }
0xe1: {  	s15 =	sadd.s32 $0x40, s15;
	s16 =	sadd.s32 $0x8, s16;
	v17 =	vadd.f32 v28, v24;
	v24 =	vadd.f32 v30, v29;
	v27 =	vmul.f32 v33, v25  }
0xe2: {  	_ = 	snop  }
0xe3: {  	v18 =	vmul.f32 v18, v25  }
0xe4: {  	v15 =	vmul.f32 v15, v25;
	v9 =	vmul.f32 v11, v9  }
0xe5: {  	v4 =	vmul.f32 v4, v5;
	v7 =	vmul.f32 v7, v3  }
0xe6: {  	v20 =	vadd.f32 v22, v20;
	v19 =	vld.idx.msk [tilespmem:v19+s4+$0x0], $0xffff;
	v8 =	vmul.f32 v11, v8;
	v6 =	vmul.f32 v6, v2  }
0xe7: {  	v14 =	vld.idx.msk [tilespmem:v14+s4+$0x0], $0xffff;
	v1 =	vmul.f32 v1, v3;
	v5 =	vadd.f32 v15, v23;
	v15 =	vadd.f32 v21, v24  }
0xe8: {  	v0 =	vmul.f32 v0, v2;
	v22 =	vadd.f32 v27, v26;
	v4 =	vadd.f32 v4, v20  }
0xe9: {  	v17 =	vadd.f32 v18, v17;
	v16 =	vmul.f32 v16, v9;
	v7 =	vadd.f32 v7, v15  }
0xea: {  	s12 =	sshll.u32 s10, $0xB;
	v12 =	vmul.f32 v12, v9;
	v9 =	vmul.f32 v13, v9;
	v1 =	vadd.f32 v1, v4  }
0xeb: {  	s13 =	sshll.u32 s10, $0x9;
	s12 =	sand.u32 $0xF000, s12;
	v11 =	vadd.f32 v16, v22;
	v3 =	vmul.f32 v19, v8;
	v6 =	vadd.f32 v6, v7  }
0xec: {  	s13 =	sand.u32 $0x200, s13;
	s12 =	sor.u32 s7, s12;
	v5 =	vadd.f32 v9, v5;
	v9 =	vmul.f32 v14, v8;
	v0 =	vadd.f32 v0, v1  }
0xed: {  	s15 =	sor.u32 s13, s12;
	v8 =	vmul.f32 v10, v8;
	v7 =	vadd.f32 v12, v17;
	v3 =	vadd.f32 v3, v11;
	[tilespmem:s14+$0x1C190] =	vst v6  }
0xee: {  	s16 =	sor.u32 s5, s15;
	v2 =	vadd.f32 v9, v5;
	[tilespmem:s14+$0x1BD90] =	vst v0  }
0xef: {  	s16 =	sshrl.u32 s16, $0x3;
	v4 =	vadd.f32 v8, v7;
	[tilespmem:s14+$0x1C180] =	vst v3  }
0xf0: {  	s6 =	sadd.s32 s2, s16;
	s16 =	sor.u32 s8, s15;
	[tilespmem:s14+$0x1C580] =	vst v2  }
0xf1: {  	[tilespmem:s14+$0x1BD80] =	vst v4;
	s14 =	sshrl.u32 s16, $0x3  }
0xf2: {  	[hbm4b:s6+s17] =	stream.strided.scatter [tilespmem:s28], [sflag:$0x3], $0x400, s18, s17, $0x38;
	[tilespmem:$0x1D580] =	vst v63  }
0xf3: {  	s20 =	sor.u32 s9, s15;
	s14 =	sadd.s32 s2, s14  }
0xf4: {  	[hbm4b:s14+s17] =	stream.strided.scatter [tilespmem:s29], [sflag:$0x3], $0x400, s18, s17, $0x38;
	[tilespmem:$0x1D580] =	vst v63  }
0xf5: {  	s14 =	sshrl.u32 s20, $0x3  }
0xf6: {  	p1 =	seq.s32 s10, $0x1F;
	s14 =	sadd.s32 s2, s14  }
0xf7: {  	[hbm4b:s14+s17] =	stream.strided.scatter [tilespmem:s30], [sflag:$0x3], $0x400, s18, s17, $0x38;
	[tilespmem:$0x1D580] =	vst v63  }
0xf8: {  	s14 =	sadd.s32 @!p1 $0x2, s11  }
0xf9: {  	s15 =	sshll.u32 @!p1 s14, $0xA  }
0xfa: {  	s15 =	sadd.s32 @!p1 s7, s15  }
0xfb: {  	s14 =	sshll.u32 @!p1 s14, $0x8;
	s15 =	sand.u32 @!p1 $0x7F000, s15  }
0xfc: {  	s14 =	sand.u32 @!p1 $0x200, s14;
	s16 =	sadd.s32 @!p1 s5, s15  }
0xfd: {  	s16 =	sor.u32 @!p1 s14, s16  }
0xfe: {  	s21 =	simm.s32 @!p1 $0x400;
	s16 =	sshrl.u32 @!p1 s16, $0x3  }
0xff: {  	s25 =	simm.s32 @!p1 $0x1A580;
	s20 =	simm.s32 @!p1 $0x100;
	s16 =	sadd.s32 @!p1 s1, s16  }
0x100: {  	[tilespmem:s25], [sflag:$0x1] =	stream.strided.gather @!p1 [hbm4b:s16+s20], $0x400, s21, s20, $0x38;
	[tilespmem:$0x1D580] =	vst v63  }
0x101: {  	s16 =	sadd.s32 @!p1 s8, s15  }
0x102: {  	s15 =	sadd.s32 @!p1 s9, s15;
	s16 =	sor.u32 @!p1 s14, s16  }
0x103: {  	s14 =	sor.u32 @!p1 s14, s15;
	s16 =	sshrl.u32 @!p1 s16, $0x3  }
0x104: {  	s25 =	simm.s32 @!p1 $0x1A980;
	s14 =	sshrl.u32 @!p1 s14, $0x3;
	s16 =	sadd.s32 @!p1 s1, s16  }
0x105: {  	[tilespmem:s25], [sflag:$0x1] =	stream.strided.gather @!p1 [hbm4b:s16+s20], $0x400, s21, s20, $0x38;
	[tilespmem:$0x1D580] =	vst v63  }
0x106: {  	s15 =	simm.s32 @!p1 $0x1AD80;
	s14 =	sadd.s32 @!p1 s1, s14  }
0x107: {  	[tilespmem:s15], [sflag:$0x1] =	stream.strided.gather @!p1 [hbm4b:s14+s20], $0x400, s21, s20, $0x38;
	[tilespmem:$0x1D580] =	vst v63  }
0x108: {  	_ =	swait.ge [sflag:s31], $0x400  }
0x109: {  	[sflag:s31] =	ssyncset.done $0x0  }
0x10a: {  	[sflag:s31] =	ssyncadd.s32 $0xFFFFFC00  }
0x10b: {  	_ =	swait.ge [sflag:s31], $0x400  }
0x10c: {  	[sflag:s31] =	ssyncset.done $0x0  }
0x10d: {  	[sflag:s31] =	ssyncadd.s32 $0xFFFFFC00  }
0x10e: {  	_ =	swait.ge [sflag:s31], $0x400  }
0x10f: {  	[sflag:s31] =	ssyncset.done $0x0  }
0x110: {  	s14 =	simm.s32 @!p0 $0x4;
	[sflag:s31] =	ssyncadd.s32 $0xFFFFFC00  }
0x111: {  	_ =	swait.ge @!p0 [sflag:s14], $0x400  }
0x112: {  	[sflag:s14] =	ssyncset.done @!p0 $0x0  }
0x113: {  	[sflag:s14] =	ssyncadd.s32 @!p0 $0xFFFFFC00  }
0x114: {  	_ =	swait.ge @!p0 [sflag:s14], $0x400  }
0x115: {  	[sflag:s14] =	ssyncset.done @!p0 $0x0  }
0x116: {  	s15 =	simm.s32 $0x0;
	[sflag:s14] =	ssyncadd.s32 @!p0 $0xFFFFFC00  }
0x117: {  	s21 =	sand.u32 $0x300, s15;
	s22 =	sand.u32 $0x80, s15;
	_ =	swait.ge @!p0 [sflag:s14], $0x400  }
0x118: {  	s25 =	sand.u32 $0x60, s15;
	s16 =	sor.u32 s22, s21;
	[sflag:s14] =	ssyncset.done @!p0 $0x0  }
0x119: {  	[sflag:s14] =	ssyncadd.s32 @!p0 $0xFFFFFC00;
	s14 =	sor.u32 s25, s16  }
0x11a: {  	v0 =	vld [tilespmem:s14+$0x1B590]  }
0x11b: {  	v1 =	vld [tilespmem:s14+$0x1B990]  }
0x11c: {  	v2 =	vld [tilespmem:s14+$0x1B190]  }
0x11d: {  	v3 =	vld [tilespmem:s14+$0x1B580]  }
0x11e: {  	v4 =	vld [tilespmem:s14+$0x1B980]  }
0x11f: {  	v5 =	vld [tilespmem:s14+$0x1B180];
	_ =	sdelay $0x2  }
0x120: {  	v0 =	vmul.f32 $3.200000000e+01, v0;
	v1 =	vmul.f32 $3.200000000e+01, v1  }
0x121: {  	v2 =	vmul.f32 $3.200000000e+01, v2;
	v8 =	vmul.f32 $3.200000000e+01, v3  }
0x122: {  	v9 =	vmul.f32 $3.200000000e+01, v4;
	v12 =	vmul.f32 $3.200000000e+01, v5  }
0x123: {  	v6 =	vtrunc.f32 v0;
	v7 =	vtrunc.f32 v1  }
0x124: {  	v3 =	vtrunc.f32 v2;
	v11 =	vtrunc.f32 v8  }
0x125: {  	v5 =	vtrunc.f32 v9;
	v28 =	vtrunc.f32 v12  }
0x126: {  	v6 =	vcvt.f32.s32 v6;
	v7 =	vcvt.f32.s32 v7  }
0x127: {  	v3 =	vcvt.f32.s32 v3;
	v11 =	vcvt.f32.s32 v11  }
0x128: {  	v5 =	vcvt.f32.s32 v5;
	v28 =	vcvt.f32.s32 v28  }
0x129: {  	v4 =	vmul.u32 $0x441, v7;
	v10 =	vmul.u32 $0x21, v6;
	v14 =	vcvt.s32.f32 v3  }
0x12a: {  	v15 =	vadd.s32 $0x1, v3;
	v6 =	vcvt.s32.f32 v6;
	v7 =	vcvt.s32.f32 v7  }
0x12b: {  	v26 =	vmul.u32 $0x21, v11;
	v31 =	vmul.u32 $0x441, v5;
	v11 =	vcvt.s32.f32 v11  }
0x12c: {  	v13 =	vadd.s32 v10, v4;
	v17 =	vadd.s32 $0x21, v10;
	v2 =	vsub.f32 v2, v14  }
0x12d: {  	v0 =	vsub.f32 v0, v6;
	v1 =	vsub.f32 v1, v7;
	v16 =	vadd.s32 v3, v13  }
0x12e: {  	v11 =	vsub.f32 v8, v11;
	v13 =	vadd.s32 v15, v13;
	v18 =	vadd.s32 $0x118C2, v16  }
0x12f: {  	v19 =	vadd.s32 v17, v4;
	v4 =	vadd.s32 $0x441, v4;
	v20 =	vadd.s32 $0x118C2, v13  }
0x130: {  	v8 =	vcvt.s32.f32 v28;
	v14 =	vadd.s32 v3, v19;
	v7 =	vadd.s32 v17, v4  }
0x131: {  	v17 =	vadd.s32 v15, v19;
	v4 =	vadd.s32 v10, v4;
	v6 =	vadd.s32 $0x118C2, v14  }
0x132: {  	v21 =	vsub.f32 $1.000000000e+00, v0;
	v22 =	vsub.f32 $1.000000000e+00, v1;
	v55 =	vmul.f32 v1, v0;
	v33 =	vld.idx.msk [tilespmem:v16+s4+$0x0], $0xffff  }
0x133: {  	v10 =	vadd.s32 $0x118C2, v17;
	v19 =	vadd.s32 v15, v7;
	v23 =	vadd.s32 v3, v4;
	v18 =	vld.idx.msk [tilespmem:v18+s4+$0x0], $0xffff  }
0x134: {  	v3 =	vadd.s32 v3, v7;
	v7 =	vsub.f32 $1.000000000e+00, v2;
	v24 =	vadd.s32 $0x118C2, v23;
	v20 =	vld.idx.msk [tilespmem:v20+s4+$0x0], $0xffff  }
0x135: {  	v4 =	vadd.s32 v15, v4;
	v25 =	vmul.f32 v22, v21;
	v16 =	vadd.s32 $0x8C61, v16;
	v34 =	vld.idx.msk [tilespmem:v13+s4+$0x0], $0xffff  }
0x136: {  	v37 =	vadd.s32 $0x8C61, v17;
	v15 =	vmul.f32 v22, v0;
	v13 =	vadd.s32 $0x8C61, v13;
	v6 =	vld.idx.msk [tilespmem:v6+s4+$0x0], $0xffff  }
0x137: {  	v22 =	vadd.s32 $0x118C2, v4;
	v27 =	vmul.f32 v25, v7;
	v25 =	vmul.f32 v25, v2;
	v17 =	vld.idx.msk [tilespmem:v17+s4+$0x0], $0xffff  }
0x138: {  	v58 =	vsub.f32 $1.000000000e+00, v11;
	v8 =	vsub.f32 v12, v8;
	v29 =	vmul.f32 v15, v7;
	v10 =	vld.idx.msk [tilespmem:v10+s4+$0x0], $0xffff  }
0x139: {  	v30 =	vadd.s32 $0x118C2, v3;
	v24 =	vld.idx.msk [tilespmem:v24+s4+$0x0], $0xffff;
	v18 =	vmul.f32 v27, v18;
	v20 =	vmul.f32 v25, v20  }
0x13a: {  	v21 =	vmul.f32 v21, v1;
	v32 =	vadd.s32 $0x118C2, v19;
	v35 =	vadd.s32 $0x8C61, v19;
	v16 =	vld.idx.msk [tilespmem:v16+s4+$0x0], $0xffff  }
0x13b: {  	v15 =	vmul.f32 v15, v2;
	v13 =	vld.idx.msk [tilespmem:v13+s4+$0x0], $0xffff;
	v6 =	vmul.f32 v6, v29;
	v18 =	vadd.f32 v20, v18  }
0x13c: {  	v36 =	vadd.s32 $0x8C61, v3;
	v38 =	vadd.s32 $0x8C61, v23;
	v20 =	vld.idx.msk [tilespmem:v22+s4+$0x0], $0xffff;
	v22 =	vcvt.s32.f32 v5  }
0x13d: {  	v1 =	vld.idx.msk [tilespmem:v3+s4+$0x0], $0xffff;
	v5 =	vadd.f32 v6, v18;
	v6 =	vmul.f32 v10, v15;
	v10 =	vmul.f32 v21, v7  }
0x13e: {  	v3 =	vmul.f32 v55, v7;
	v17 =	vmul.f32 v17, v15;
	v18 =	vld.idx.msk [tilespmem:v30+s4+$0x0], $0xffff;
	v22 =	vsub.f32 v9, v22  }
0x13f: {  	v0 =	vld.idx.msk [tilespmem:v19+s4+$0x0], $0xffff;
	v6 =	vadd.f32 v6, v5;
	v19 =	vmul.f32 v24, v10;
	v5 =	vmul.f32 v21, v2  }
0x140: {  	v9 =	vadd.s32 $0x8C61, v14;
	v16 =	vmul.f32 v27, v16;
	v27 =	vmul.f32 v27, v33;
	v21 =	vld.idx.msk [tilespmem:v32+s4+$0x0], $0xffff  }
0x141: {  	v13 =	vmul.f32 v25, v13;
	v6 =	vadd.f32 v19, v6;
	v19 =	vmul.f32 v20, v5  }
0x142: {  	v23 =	vld.idx.msk [tilespmem:v23+s4+$0x0], $0xffff;
	v25 =	vmul.f32 v25, v34;
	v24 =	vadd.s32 v26, v31;
	v32 =	vadd.s32 $0x8C61, v4  }
0x143: {  	v37 =	vld.idx.msk [tilespmem:v37+s4+$0x0], $0xffff;
	v2 =	vmul.f32 v55, v2;
	v7 =	vmul.f32 v18, v3;
	v6 =	vadd.f32 v19, v6  }
0x144: {  	v14 =	vld.idx.msk [tilespmem:v14+s4+$0x0], $0xffff;
	v20 =	vadd.s32 $0x1, v28;
	v18 =	vadd.s32 $0x21, v26;
	v19 =	vadd.s32 v28, v24  }
0x145: {  	v4 =	vld.idx.msk [tilespmem:v4+s4+$0x0], $0xffff;
	v56 =	vadd.s32 $0x118C2, v19;
	v6 =	vadd.f32 v7, v6;
	v7 =	vmul.f32 v21, v2  }
0x146: {  	v45 =	vld.idx.msk [tilespmem:v9+s4+$0x0], $0xffff;
	v57 =	vadd.s32 v18, v31;
	v21 =	vadd.s32 v20, v24;
	v24 =	vadd.s32 $0x8C61, v19  }
0x147: {  	v42 =	vsub.f32 $1.000000000e+00, v22;
	v43 =	vadd.s32 v28, v57;
	v39 =	vadd.f32 v7, v6;
	v6 =	vld.idx.msk [tilespmem:v35+s4+$0x0], $0xffff  }
0x148: {  	v13 =	vadd.f32 v13, v16;
	v23 =	vmul.f32 v23, v10;
	v12 =	vadd.s32 $0x8C61, v43;
	v7 =	vld.idx.msk [tilespmem:v36+s4+$0x0], $0xffff  }
0x149: {  	v46 =	vmul.f32 v42, v58;
	v42 =	vmul.f32 v42, v11;
	v40 =	vadd.s32 $0x8C61, v21;
	v19 =	vld.idx.msk [tilespmem:v19+s4+$0x0], $0xffff  }
0x14a: {  	v11 =	vmul.f32 v22, v11;
	v9 =	vsub.f32 $1.000000000e+00, v8;
	v41 =	vadd.s32 $0x118C2, v21;
	v30 =	vld.idx.msk [tilespmem:v56+s4+$0x0], $0xffff  }
0x14b: {  	v14 =	vmul.f32 v29, v14;
	v31 =	vadd.s32 $0x441, v31;
	v35 =	vadd.s32 v20, v57;
	v24 =	vld.idx.msk [tilespmem:v24+s4+$0x0], $0xffff  }
0x14c: {  	v49 =	vmul.f32 v46, v8;
	v26 =	vadd.s32 v26, v31;
	v47 =	vadd.s32 $0x8C61, v35;
	v21 =	vld.idx.msk [tilespmem:v21+s4+$0x0], $0xffff  }
0x14d: {  	v46 =	vmul.f32 v46, v9;
	v60 =	vmul.f32 v42, v9;
	v44 =	vadd.s32 $0x118C2, v43;
	v12 =	vld.idx.msk [tilespmem:v12+s4+$0x0], $0xffff  }
0x14e: {  	v18 =	vadd.s32 v18, v31;
	v42 =	vmul.f32 v42, v8;
	v36 =	vmul.f32 v58, v22;
	v40 =	vld.idx.msk [tilespmem:v40+s4+$0x0], $0xffff  }
0x14f: {  	v50 =	vadd.s32 v28, v26;
	v26 =	vadd.s32 v20, v26;
	v48 =	vadd.s32 $0x118C2, v35;
	v59 =	vld.idx.msk [tilespmem:v41+s4+$0x0], $0xffff  }
0x150: {  	v28 =	vadd.s32 v28, v18;
	v51 =	vadd.s32 $0x8C61, v50;
	v58 =	vmul.f32 v36, v9;
	v55 =	vld.idx.msk [tilespmem:v35+s4+$0x0], $0xffff  }
0x151: {  	v61 =	vadd.s32 $0x118C2, v50;
	v19 =	vmul.f32 v46, v19;
	v53 =	vld.idx.msk [tilespmem:v47+s4+$0x0], $0xffff;
	v30 =	vmul.f32 v46, v30  }
0x152: {  	v16 =	vmul.f32 v46, v24;
	v24 =	vadd.f32 v25, v27;
	v25 =	vmul.f32 v45, v29;
	v27 =	vld.idx.msk [tilespmem:v44+s4+$0x0], $0xffff  }
0x153: {  	v62 =	vadd.s32 $0x8C61, v26;
	v29 =	vld.idx.msk [tilespmem:v43+s4+$0x0], $0xffff;
	v21 =	vmul.f32 v49, v21;
	v12 =	vmul.f32 v12, v60  }
0x154: {  	v52 =	vadd.s32 $0x118C2, v26;
	v54 =	vld.idx.msk [tilespmem:v48+s4+$0x0], $0xffff;
	v63 =	vmul.f32 v49, v40;
	v33 =	vmul.f32 v49, v59  }
0x155: {  	v32 =	vld.idx.msk [tilespmem:v32+s4+$0x0], $0xffff;
	v59 =	vadd.s32 $0x118C2, v28;
	v13 =	vadd.f32 v25, v13;
	v19 =	vadd.f32 v21, v19  }
0x156: {  	v57 =	vld.idx.msk [tilespmem:v50+s4+$0x0], $0xffff;
	v14 =	vadd.f32 v24, v14;
	v31 =	vmul.f32 v55, v42;
	v16 =	vadd.f32 v63, v16  }
0x157: {  	v24 =	vld.idx.msk [tilespmem:v51+s4+$0x0], $0xffff;
	v30 =	vadd.f32 v33, v30;
	v56 =	vmul.f32 v53, v42;
	v21 =	vmul.f32 v27, v60  }
0x158: {  	v25 =	vld.idx.msk [tilespmem:v38+s4+$0x0], $0xffff;
	v27 =	vmul.f32 v60, v29;
	v12 =	vadd.f32 v12, v16;
	v16 =	vmul.f32 v37, v15  }
0x159: {  	v29 =	vld.idx.msk [tilespmem:v61+s4+$0x0], $0xffff;
	v15 =	vmul.f32 v54, v42;
	v61 =	vadd.s32 v20, v18;
	v20 =	vadd.f32 v17, v14  }
0x15a: {  	v60 =	vld.idx.msk [tilespmem:v62+s4+$0x0], $0xffff;
	v21 =	vadd.f32 v21, v30;
	v19 =	vadd.f32 v19, v27;
	v27 =	vadd.s32 $0x8C61, v28  }
0x15b: {  	v18 =	vld.idx.msk [tilespmem:v26+s4+$0x0], $0xffff;
	v17 =	vmul.f32 v57, v58;
	v26 =	vmul.f32 v36, v8;
	v30 =	vadd.f32 v56, v12  }
0x15c: {  	v24 =	vmul.f32 v24, v58;
	v62 =	vadd.f32 v16, v13;
	v21 =	vadd.f32 v15, v21;
	v15 =	vld.idx.msk [tilespmem:v52+s4+$0x0], $0xffff  }
0x15d: {  	v63 =	vmul.f32 v25, v10;
	v12 =	vld.idx.msk [tilespmem:v28+s4+$0x0], $0xffff;
	v31 =	vadd.f32 v31, v19;
	v19 =	vadd.s32 $0x8C61, v61  }
0x15e: {  	v14 =	vadd.s32 $0x118C2, v61;
	v13 =	vld.idx.msk [tilespmem:v59+s4+$0x0], $0xffff;
	v25 =	vadd.f32 v24, v30;
	v29 =	vmul.f32 v29, v58  }
0x15f: {  	[tilespmem:s14+$0x1D190] =	vst v39;
	v24 =	vadd.f32 v63, v62;
	v17 =	vadd.f32 v17, v31;
	v16 =	vld.idx.msk [tilespmem:v27+s4+$0x0], $0xffff  }
0x160: {  	s20 =	simm.s32 $0x8;
	s16 =	simm.s32 $0x0;
	s25 =	simm.s32 $0x40;
	v10 =	vld.idx.msk [tilespmem:v61+s4+$0x0], $0xffff;
	v22 =	vadd.f32 v29, v21;
	v21 =	vmul.f32 v32, v5;
	v27 =	vmul.f32 v60, v26  }
.LBB2_5:
0x161: {  	s21 =	sand.u32 $0x300, s25;
	s6 =	sand.u32 $0x80, s20;
	v18 =	vmul.f32 v18, v26;
	v15 =	vmul.f32 v15, v26;
	v20 =	vadd.f32 v23, v20;
	s15 =	sadd.s32 $0x20, s15  }
0x162: {  	v9 =	vmul.f32 v11, v9;
	v4 =	vmul.f32 v4, v5;
	s22 =	sand.u32 $0x60, s15;
	s6 =	sor.u32 s6, s21;
	v23 =	vadd.f32 v27, v25;
	v19 =	vld.idx.msk [tilespmem:v19+s4+$0x0], $0xffff  }
0x163: {  	s16 =	sadd.s32 $0x2, s16;
	v7 =	vmul.f32 v7, v3;
	s21 =	sor.u32 s22, s6;
	v5 =	vadd.f32 v15, v22;
	v14 =	vld.idx.msk [tilespmem:v14+s4+$0x0], $0xffff;
	v15 =	vadd.f32 v21, v24  }
0x164: {  	p0 =	slt.u32 s16, $0x3E;
	v17 =	vadd.f32 v18, v17;
	v16 =	vmul.f32 v16, v9;
	v4 =	vadd.f32 v4, v20;
	v21 =	vld [tilespmem:s21+$0x1B590]  }
0x165: {  	v12 =	vmul.f32 v12, v9;
	v9 =	vmul.f32 v13, v9;
	v18 =	vld [tilespmem:s21+$0x1B990];
	v7 =	vadd.f32 v7, v15  }
0x166: {  	v8 =	vmul.f32 v11, v8;
	v1 =	vmul.f32 v1, v3;
	v15 =	vadd.f32 v16, v23;
	v13 =	vld [tilespmem:s21+$0x1B190]  }
0x167: {  	v6 =	vmul.f32 v6, v2;
	v11 =	vadd.f32 v12, v17;
	v5 =	vadd.f32 v9, v5;
	v3 =	vld [tilespmem:s21+$0x1B580]  }
0x168: {  	v10 =	vmul.f32 v10, v8;
	v1 =	vadd.f32 v1, v4;
	v12 =	vmul.f32 v19, v8;
	v9 =	vld [tilespmem:s21+$0x1B980]  }
0x169: {  	v0 =	vmul.f32 v0, v2;
	v2 =	vadd.f32 v6, v7;
	v8 =	vmul.f32 v14, v8;
	v4 =	vld [tilespmem:s21+$0x1B180]  }
0x16a: {  	v14 =	vmul.f32 $3.200000000e+01, v21;
	v6 =	vadd.f32 v12, v15;
	v16 =	vmul.f32 $3.200000000e+01, v18  }
0x16b: {  	v10 =	vadd.f32 v10, v11;
	v5 =	vadd.f32 v8, v5;
	v12 =	vmul.f32 $3.200000000e+01, v13;
	[tilespmem:s14+$0x1CD90] =	vst v2  }
0x16c: {  	v0 =	vadd.f32 v0, v1;
	v2 =	vtrunc.f32 v14;
	v7 =	vtrunc.f32 v16;
	[tilespmem:s14+$0x1CD80] =	vst v6  }
0x16d: {  	v1 =	vcvt.f32.s32 v2;
	v2 =	vcvt.f32.s32 v7;
	[tilespmem:s14+$0x1D180] =	vst v5  }
0x16e: {  	v6 =	vmul.f32 $3.200000000e+01, v3;
	v7 =	vmul.f32 $3.200000000e+01, v9;
	[tilespmem:s14+$0x1C980] =	vst v10  }
0x16f: {  	v3 =	vtrunc.f32 v12;
	v9 =	vmul.u32 $0x21, v1;
	v5 =	vmul.u32 $0x441, v2;
	[tilespmem:s14+$0x1C990] =	vst v0;
	s14 =	smov.u32 s21  }
0x170: {  	v3 =	vcvt.f32.s32 v3;
	v0 =	vtrunc.f32 v6  }
0x171: {  	v8 =	vmul.f32 $3.200000000e+01, v4;
	v4 =	vtrunc.f32 v7;
	v10 =	vadd.s32 v9, v5  }
0x172: {  	v11 =	vcvt.s32.f32 v3;
	v13 =	vadd.s32 $0x1, v3;
	v17 =	vadd.s32 v3, v10  }
0x173: {  	v15 =	vadd.s32 $0x21, v9;
	v20 =	vadd.s32 v13, v10;
	v18 =	vadd.s32 $0x118C2, v17  }
0x174: {  	v1 =	vcvt.s32.f32 v1;
	v10 =	vadd.s32 v15, v5;
	v19 =	vadd.s32 $0x118C2, v20  }
0x175: {  	v2 =	vcvt.s32.f32 v2;
	v22 =	vsub.f32 v12, v11;
	v23 =	vadd.s32 v3, v10  }
0x176: {  	v11 =	vsub.f32 v14, v1;
	v1 =	vadd.s32 $0x441, v5;
	v5 =	vadd.s32 $0x118C2, v23  }
0x177: {  	v2 =	vsub.f32 v16, v2;
	v12 =	vadd.s32 v15, v1;
	v14 =	vadd.s32 v13, v10  }
0x178: {  	v1 =	vadd.s32 v9, v1;
	v10 =	vadd.s32 $0x118C2, v14;
	v16 =	vadd.s32 v13, v12;
	v9 =	vld.idx.msk [tilespmem:v18+s4+$0x0], $0xffff  }
0x179: {  	v15 =	vsub.f32 $1.000000000e+00, v2;
	v24 =	vsub.f32 $1.000000000e+00, v11;
	v26 =	vadd.s32 v3, v1;
	v25 =	vld.idx.msk [tilespmem:v19+s4+$0x0], $0xffff  }
0x17a: {  	v27 =	vcvt.f32.s32 v0;
	v3 =	vadd.s32 v3, v12;
	v28 =	vadd.s32 $0x118C2, v26;
	v19 =	vld.idx.msk [tilespmem:v17+s4+$0x0], $0xffff  }
0x17b: {  	v29 =	vsub.f32 $1.000000000e+00, v22;
	v13 =	vadd.s32 v13, v1;
	v0 =	vmul.f32 v15, v24;
	v5 =	vld.idx.msk [tilespmem:v5+s4+$0x0], $0xffff  }
0x17c: {  	v4 =	vcvt.f32.s32 v4;
	v12 =	vmul.f32 v15, v11;
	v30 =	vadd.s32 $0x118C2, v13;
	v21 =	vld.idx.msk [tilespmem:v20+s4+$0x0], $0xffff  }
0x17d: {  	v31 =	vmul.u32 $0x21, v27;
	v32 =	vmul.f32 v0, v29;
	v33 =	vmul.f32 v0, v22;
	v10 =	vld.idx.msk [tilespmem:v10+s4+$0x0], $0xffff  }
0x17e: {  	v1 =	vtrunc.f32 v8;
	v34 =	vadd.s32 $0x118C2, v3;
	v18 =	vmul.f32 v12, v29;
	v0 =	vld.idx.msk [tilespmem:v16+s4+$0x0], $0xffff  }
0x17f: {  	v35 =	vmul.u32 $0x441, v4;
	v9 =	vmul.f32 v32, v9;
	v25 =	vmul.f32 v33, v25;
	v28 =	vld.idx.msk [tilespmem:v28+s4+$0x0], $0xffff  }
0x180: {  	v36 =	vadd.s32 $0x118C2, v16;
	v15 =	vcvt.f32.s32 v1;
	v24 =	vmul.f32 v24, v2;
	v1 =	vld.idx.msk [tilespmem:v3+s4+$0x0], $0xffff  }
0x181: {  	v12 =	vmul.f32 v12, v22;
	v9 =	vadd.f32 v25, v9;
	v5 =	vmul.f32 v5, v18;
	v25 =	vld.idx.msk [tilespmem:v30+s4+$0x0], $0xffff  }
0x182: {  	v27 =	vcvt.s32.f32 v27;
	v17 =	vadd.s32 $0x8C61, v17;
	v30 =	vcvt.s32.f32 v4;
	v4 =	vld.idx.msk [tilespmem:v13+s4+$0x0], $0xffff  }
0x183: {  	v5 =	vadd.f32 v5, v9;
	v9 =	vmul.f32 v10, v12;
	v10 =	vmul.f32 v24, v29;
	v34 =	vld.idx.msk [tilespmem:v34+s4+$0x0], $0xffff  }
0x184: {  	v37 =	vadd.s32 $0x8C61, v20;
	v38 =	vadd.s32 $0x8C61, v16;
	v2 =	vmul.f32 v2, v11;
	v11 =	vld.idx.msk [tilespmem:v26+s4+$0x0], $0xffff  }
0x185: {  	v9 =	vadd.f32 v9, v5;
	v16 =	vmul.f32 v28, v10;
	v5 =	vmul.f32 v24, v22;
	v24 =	vld.idx.msk [tilespmem:v36+s4+$0x0], $0xffff  }
0x186: {  	v39 =	vadd.s32 $0x8C61, v3;
	v28 =	vadd.s32 v31, v35;
	v36 =	vadd.s32 $0x8C61, v13;
	v20 =	vld.idx.msk [tilespmem:v14+s4+$0x0], $0xffff  }
0x187: {  	v3 =	vmul.f32 v2, v29;
	v9 =	vadd.f32 v16, v9;
	v13 =	vmul.f32 v25, v5;
	v40 =	vld.idx.msk [tilespmem:v23+s4+$0x0], $0xffff  }
0x188: {  	v29 =	vadd.s32 $0x8C61, v14;
	v26 =	vadd.s32 $0x8C61, v26;
	v16 =	vadd.s32 $0x1, v15;
	v25 =	vld.idx.msk [tilespmem:v17+s4+$0x0], $0xffff  }
0x189: {  	v2 =	vmul.f32 v2, v22;
	v9 =	vadd.f32 v13, v9;
	v17 =	vmul.f32 v34, v3;
	v37 =	vld.idx.msk [tilespmem:v37+s4+$0x0], $0xffff  }
0x18a: {  	v22 =	vadd.s32 $0x8C61, v23;
	v14 =	vsub.f32 v7, v30;
	v13 =	vsub.f32 v6, v27;
	v6 =	vld.idx.msk [tilespmem:v38+s4+$0x0], $0xffff  }
0x18b: {  	v23 =	vcvt.s32.f32 v15;
	v9 =	vadd.f32 v17, v9;
	v24 =	vmul.f32 v24, v2;
	v7 =	vld.idx.msk [tilespmem:v39+s4+$0x0], $0xffff  }
0x18c: {  	v30 =	vadd.s32 v15, v28;
	v28 =	vadd.s32 v16, v28;
	v27 =	vadd.s32 $0x21, v31;
	v17 =	vld.idx.msk [tilespmem:v36+s4+$0x0], $0xffff  }
0x18d: {  	v34 =	vadd.s32 $0x8C61, v30;
	v36 =	vadd.s32 $0x118C2, v30;
	v9 =	vadd.f32 v24, v9;
	v26 =	vld.idx.msk [tilespmem:v26+s4+$0x0], $0xffff  }
0x18e: {  	v38 =	vadd.s32 $0x8C61, v28;
	v39 =	vadd.s32 $0x118C2, v28;
	v24 =	vadd.s32 v27, v35;
	v29 =	vld.idx.msk [tilespmem:v29+s4+$0x0], $0xffff  }
0x18f: {  	v42 =	vsub.f32 $1.000000000e+00, v14;
	v41 =	vsub.f32 $1.000000000e+00, v13;
	v43 =	vadd.s32 v15, v24;
	v22 =	vld.idx.msk [tilespmem:v22+s4+$0x0], $0xffff;
	[tilespmem:s14+$0x1D190] =	vst v9  }
0x190: {  	v8 =	vsub.f32 v8, v23;
	v23 =	vadd.s32 $0x8C61, v43;
	v44 =	vadd.s32 $0x118C2, v43  }
0x191: {  	v35 =	vadd.s32 $0x441, v35;
	v45 =	vmul.f32 v42, v41;
	v24 =	vadd.s32 v16, v24;
	v30 =	vld.idx.msk [tilespmem:v30+s4+$0x0], $0xffff  }
0x192: {  	v46 =	vadd.s32 $0x8C61, v24;
	v47 =	vadd.s32 $0x118C2, v24;
	v9 =	vsub.f32 $1.000000000e+00, v8;
	v34 =	vld.idx.msk [tilespmem:v34+s4+$0x0], $0xffff  }
0x193: {  	v42 =	vmul.f32 v42, v13;
	v31 =	vadd.s32 v31, v35;
	v48 =	vmul.f32 v45, v8;
	v36 =	vld.idx.msk [tilespmem:v36+s4+$0x0], $0xffff  }
0x194: {  	v25 =	vmul.f32 v32, v25;
	v49 =	vadd.s32 v15, v31;
	v45 =	vmul.f32 v45, v9;
	v38 =	vld.idx.msk [tilespmem:v38+s4+$0x0], $0xffff  }
0x195: {  	v19 =	vmul.f32 v32, v19;
	v32 =	vmul.f32 v33, v37;
	v50 =	vadd.s32 $0x8C61, v49;
	v39 =	vld.idx.msk [tilespmem:v39+s4+$0x0], $0xffff  }
0x196: {  	v21 =	vmul.f32 v33, v21;
	v51 =	vadd.s32 $0x118C2, v49;
	v37 =	vmul.f32 v42, v9;
	v28 =	vld.idx.msk [tilespmem:v28+s4+$0x0], $0xffff  }
0x197: {  	v31 =	vadd.s32 v16, v31;
	v25 =	vadd.f32 v32, v25;
	v30 =	vmul.f32 v45, v30;
	v23 =	vld.idx.msk [tilespmem:v23+s4+$0x0], $0xffff  }
0x198: {  	v19 =	vadd.f32 v21, v19;
	v21 =	vmul.f32 v22, v18;
	v32 =	vmul.f32 v45, v34;
	v33 =	vld.idx.msk [tilespmem:v44+s4+$0x0], $0xffff  }
0x199: {  	v18 =	vmul.f32 v18, v40;
	v22 =	vmul.f32 v45, v36;
	v36 =	vadd.s32 $0x8C61, v31;
	v34 =	vld.idx.msk [tilespmem:v43+s4+$0x0], $0xffff  }
0x19a: {  	v27 =	vadd.s32 v27, v35;
	v40 =	vadd.s32 $0x118C2, v31;
	v35 =	vmul.f32 v48, v38;
	v38 =	vld.idx.msk [tilespmem:v46+s4+$0x0], $0xffff  }
0x19b: {  	v42 =	vmul.f32 v42, v8;
	v44 =	vadd.s32 v15, v27;
	v39 =	vmul.f32 v48, v39;
	v43 =	vld.idx.msk [tilespmem:v47+s4+$0x0], $0xffff  }
0x19c: {  	v41 =	vmul.f32 v41, v14;
	v15 =	vmul.f32 v48, v28;
	v28 =	vadd.f32 v35, v32;
	v24 =	vld.idx.msk [tilespmem:v24+s4+$0x0], $0xffff  }
0x19d: {  	v21 =	vadd.f32 v21, v25;
	v22 =	vadd.f32 v39, v22;
	v23 =	vmul.f32 v23, v37;
	v32 =	vld.idx.msk [tilespmem:v50+s4+$0x0], $0xffff  }
0x19e: {  	v19 =	vadd.f32 v19, v18;
	v15 =	vadd.f32 v15, v30;
	v25 =	vmul.f32 v33, v37;
	v30 =	vld.idx.msk [tilespmem:v51+s4+$0x0], $0xffff  }
0x19f: {  	v29 =	vmul.f32 v29, v12;
	v18 =	vmul.f32 v37, v34;
	v23 =	vadd.f32 v23, v28;
	v28 =	vld.idx.msk [tilespmem:v49+s4+$0x0], $0xffff  }
0x1a0: {  	v20 =	vmul.f32 v20, v12;
	v22 =	vadd.f32 v25, v22;
	v25 =	vmul.f32 v38, v42;
	v33 =	vld.idx.msk [tilespmem:v36+s4+$0x0], $0xffff  }
0x1a1: {  	v35 =	vadd.s32 $0x8C61, v44;
	v34 =	vadd.f32 v15, v18;
	v12 =	vmul.f32 v43, v42;
	v15 =	vld.idx.msk [tilespmem:v40+s4+$0x0], $0xffff  }
0x1a2: {  	v36 =	vmul.f32 v41, v9;
	v24 =	vmul.f32 v24, v42;
	v18 =	vld.idx.msk [tilespmem:v31+s4+$0x0], $0xffff;
	v31 =	vadd.s32 $0x118C2, v44  }
0x1a3: {  	v27 =	vadd.s32 v16, v27;
	v25 =	vadd.f32 v25, v23;
	v22 =	vadd.f32 v12, v22;
	v12 =	vld.idx.msk [tilespmem:v44+s4+$0x0], $0xffff  }
0x1a4: {  	v29 =	vadd.f32 v29, v21;
	v32 =	vmul.f32 v32, v36;
	v24 =	vadd.f32 v24, v34  }
.Ltmp3:
0x1a5: {  	v20 =	vadd.f32 v20, v19;
	v21 =	vmul.f32 v30, v36;
	v30 =	vmul.f32 v26, v10;
	(pc) =	sbr.rel @p0 .LBB2_5-.Ltmp3, $4  }
0x1a6: {  	v19 =	vadd.s32 $0x8C61, v27;
	v23 =	vmul.f32 v11, v10;
	v28 =	vmul.f32 v28, v36;
	v16 =	vld.idx.msk [tilespmem:v35+s4+$0x0], $0xffff  }
0x1a7: {  	v11 =	vmul.f32 v14, v13;
	v14 =	vadd.s32 $0x118C2, v27;
	v26 =	vmul.f32 v41, v8;
	v13 =	vld.idx.msk [tilespmem:v31+s4+$0x0], $0xffff  }
0x1a8: {  	v25 =	vadd.f32 v32, v25;
	v22 =	vadd.f32 v21, v22;
	v21 =	vmul.f32 v17, v5;
	v10 =	vld.idx.msk [tilespmem:v27+s4+$0x0], $0xffff  }
0x1a9: {  	s25 =	sadd.s32 $0x40, s25;
	s20 =	sadd.s32 $0x8, s20;
	v17 =	vadd.f32 v28, v24;
	v24 =	vadd.f32 v30, v29;
	v27 =	vmul.f32 v33, v26  }
0x1aa: {  	_ = 	snop  }
0x1ab: {  	v18 =	vmul.f32 v18, v26  }
0x1ac: {  	v15 =	vmul.f32 v15, v26;
	v9 =	vmul.f32 v11, v9  }
0x1ad: {  	v4 =	vmul.f32 v4, v5;
	v7 =	vmul.f32 v7, v3  }
0x1ae: {  	v20 =	vadd.f32 v23, v20;
	v19 =	vld.idx.msk [tilespmem:v19+s4+$0x0], $0xffff;
	v8 =	vmul.f32 v11, v8;
	v6 =	vmul.f32 v6, v2  }
0x1af: {  	v14 =	vld.idx.msk [tilespmem:v14+s4+$0x0], $0xffff;
	v1 =	vmul.f32 v1, v3;
	v55 =	vadd.f32 v27, v25;
	v57 =	vadd.f32 v21, v24  }
0x1b0: {  	v0 =	vmul.f32 v0, v2;
	v56 =	vadd.f32 v15, v22;
	v4 =	vadd.f32 v4, v20  }
0x1b1: {  	v17 =	vadd.f32 v18, v17;
	v16 =	vmul.f32 v16, v9;
	v7 =	vadd.f32 v7, v57  }
0x1b2: {  	v12 =	vmul.f32 v12, v9;
	v9 =	vmul.f32 v13, v9;
	v1 =	vadd.f32 v1, v4  }
0x1b3: {  	v58 =	vadd.f32 v16, v55;
	v59 =	vmul.f32 v19, v8;
	v6 =	vadd.f32 v6, v7  }
0x1b4: {  	v5 =	vadd.f32 v9, v56;
	v60 =	vmul.f32 v14, v8;
	v0 =	vadd.f32 v0, v1  }
0x1b5: {  	v61 =	vadd.f32 v12, v17;
	v8 =	vmul.f32 v10, v8;
	v3 =	vadd.f32 v59, v58;
	[tilespmem:s14+$0x1CD90] =	vst v6  }
0x1b6: {  	s6 =	sor.u32 $0x100, s13;
	s21 =	sor.u32 s5, s12;
	v62 =	vadd.f32 v60, v5;
	[tilespmem:s14+$0x1C990] =	vst v0  }
0x1b7: {  	s13 =	sor.u32 s6, s21;
	v63 =	vadd.f32 v8, v61;
	[tilespmem:s14+$0x1CD80] =	vst v3  }
0x1b8: {  	s13 =	sshrl.u32 s13, $0x3;
	[tilespmem:s14+$0x1D180] =	vst v62  }
0x1b9: {  	s22 =	sor.u32 s8, s12;
	s13 =	sadd.s32 s2, s13;
	[tilespmem:s14+$0x1C980] =	vst v63  }
0x1ba: {  	[hbm4b:s13+s17] =	stream.strided.scatter [tilespmem:s0], [sflag:$0x4], $0x400, s18, s17, $0x38;
	[tilespmem:$0x1D580] =	vst v63  }
0x1bb: {  	s25 =	sor.u32 s9, s12;
	s13 =	sor.u32 s6, s22  }
.Ltmp4:
0x1bc: {  	s6 =	sor.u32 s6, s25;
	s13 =	sshrl.u32 s13, $0x3;
	(pc) =	sbr.rel @p1 .LBB2_8-.Ltmp4, $4  }
0x1bd: {  	s6 =	sshrl.u32 s6, $0x3;
	s13 =	sadd.s32 s2, s13  }
0x1be: {  	[hbm4b:s13+s17] =	stream.strided.scatter [tilespmem:s3], [sflag:$0x4], $0x400, s18, s17, $0x38;
	[tilespmem:$0x1D580] =	vst v63  }
0x1bf: {  	s6 =	sadd.s32 s2, s6  }
0x1c0: {  	[hbm4b:s6+s17] =	stream.strided.scatter [tilespmem:s19], [sflag:$0x4], $0x400, s18, s17, $0x38;
	[tilespmem:$0x1D580] =	vst v63  }
0x1c1: {  	s6 =	sadd.s32 $0x3, s11  }
0x1c2: {  	s11 =	sshll.u32 s6, $0xA  }
0x1c3: {  	s11 =	sadd.s32 s7, s11  }
0x1c4: {  	s6 =	sshll.u32 s6, $0x8;
	s11 =	sand.u32 $0x7F000, s11  }
0x1c5: {  	s6 =	sand.u32 $0x300, s6;
	s12 =	sadd.s32 s5, s11  }
0x1c6: {  	s12 =	sor.u32 s6, s12  }
0x1c7: {  	s12 =	sshrl.u32 s12, $0x3  }
0x1c8: {  	s13 =	simm.s32 $0x1B180;
	s25 =	sadd.s32 s8, s11;
	s12 =	sadd.s32 s1, s12  }
0x1c9: {  	[tilespmem:s13], [sflag:$0x2] =	stream.strided.gather [hbm4b:s12+s17], $0x400, s18, s17, $0x38;
	[tilespmem:$0x1D580] =	vst v63  }
0x1ca: {  	s11 =	sadd.s32 s9, s11;
	s12 =	sor.u32 s6, s25  }
.Ltmp5:
0x1cb: {  	s6 =	sor.u32 s6, s11;
	s12 =	sshrl.u32 s12, $0x3;
	(pc) =	sbr.rel .LBB2_2-.Ltmp5, $4  }
0x1cc: {  	s6 =	sshrl.u32 s6, $0x3;
	s12 =	sadd.s32 s1, s12  }
0x1cd: {  	[tilespmem:s23], [sflag:$0x2] =	stream.strided.gather [hbm4b:s12+s17], $0x400, s18, s17, $0x38;
	[tilespmem:$0x1D580] =	vst v63  }
0x1ce: {  	s10 =	sadd.s32 $0x1, s10;
	s6 =	sadd.s32 s1, s6  }
0x1cf: {  	[tilespmem:s24], [sflag:$0x2] =	stream.strided.gather [hbm4b:s6+s17], $0x400, s18, s17, $0x38;
	[tilespmem:$0x1D580] =	vst v63  }
.LBB2_9:
0x1d0: {  	_ =	sfence.sel $0x180000  }
0x1d1: {  	[bflag:$0x0] =	sbarrier.arrive $0xFFFF  }
0x1d2: {  	_ =	strace $0x90000047  }
0x1d3: {  	s0 =	stileid.u32;
	[bflag:$0x2] =	sbarrier.arrive $0xFFFF  }
0x1d4: {  	p0 =	sne.s32 s0, $0x0;
	s0 =	rddreg [dreg:$0x3]  }
0x1d5: {  	s0 =	sadd.s32 @!p0 $0x100000, s0  }
0x1d6: {  	[sflag:s0] =	ssyncadd.tile.s32 @!p0 $0x1;
	_ =	shalt  }
.Lfunc_end2:
_tile_overlayer_lowered:
.L_overlay_start_2:
0x1d7: {  	(tag) =	ssettag $0x2  }
0x1d8: {  	s0 =	rddreg [dreg:$0x0];
	s2 =	stileid.u32  }
0x1d9: {  	s1 =	rddreg [dreg:$0x1];
	p0 =	sne.s32 s2, $0x0  }
0x1da: {  	s3 =	rddreg [dreg:$0x2];
	[bflag:$0x3] =	sbarrier.arrive $0xFFFF;
	s2 =	simm.s32 @!p0 $0x1C05  }
0x1db: {  	[timem:s3], [sflag:s2] =	dma.local @!p0 [hbm:s0], s1  }
0x1dc: {  	s0 =	simm.s32 @!p0 $0x5  }
0x1dd: {  	_ =	swait.ge @!p0 [sflag:s0], s1  }
0x1de: {  	s1 =	ssub.s32 @!p0 $0x0, s1;
	[sflag:s0] =	ssyncset.done @!p0 $0x0  }
0x1df: {  	[sflag:s0] =	ssyncadd.s32 @!p0 s1  }
0x1e0: {  	[bflag:$0x3] =	sbarrier.arrive $0xFFFF  }
0x1e1: {  	_ =	shalt  }

</sc_bundles>
